<compile_context>
chip_gen: v7x
topology: tpu7x:2x2x1
jax: 0.10.2.dev20260603
libtpu: 0.0.44.dev20260713+nightly
codegen_flags: <defaults>
</compile_context>

<pallas_src>
import functools

import jax
import jax.numpy as jnp
import numpy as np
from jax import lax
from jax.experimental import pallas as pl
from jax.experimental.pallas import tpu as pltpu
from jax.experimental.pallas import tpu_sc as plsc

_B, _N, _D, _E, _H = 16, 512, 256, 8192, 4
_DH = _D // _H
_NC, _NS = 2, 16
_NW = _NC * _NS
_EPW = _E // _NW
_ACC = 2 * _N * _N
_ACC_PER_SUB = _ACC // _NS
_BPP = 1


def _adj_counts_sc(edge_index, zeros_acc):
    mesh = plsc.VectorSubcoreMesh(core_axis_name="c", subcore_axis_name="s")

    @functools.partial(
        pl.kernel,
        mesh=mesh,
        out_type=jax.ShapeDtypeStruct((_NC, _ACC), jnp.float32),
        scratch_types=[
            pltpu.VMEM((_EPW,), jnp.int32),
            pltpu.VMEM((_EPW,), jnp.int32),
            pltpu.VMEM((4, 128), jnp.int32),
            pltpu.VMEM((128,), jnp.float32),
            pltpu.VMEM_SHARED((_ACC,), jnp.float32),
        ],
    )
    def _k(edge_hbm, zeros_hbm, out_hbm, row_v, col_v, idx_v, ones_v, acc_sh):
        c = lax.axis_index("c")
        s = lax.axis_index("s")
        wid = c * _NS + s
        zbase = s * _ACC_PER_SUB
        pltpu.sync_copy(zeros_hbm.at[pl.ds(zbase, _ACC_PER_SUB)],
                        acc_sh.at[pl.ds(zbase, _ACC_PER_SUB)])
        ebase = wid * _EPW
        pltpu.sync_copy(edge_hbm.at[0, pl.ds(ebase, _EPW)], row_v)
        pltpu.sync_copy(edge_hbm.at[1, pl.ds(ebase, _EPW)], col_v)
        for i in range(128 // 16):
            ones_v[pl.ds(i * 16, 16)] = jnp.ones((16,), jnp.float32)
        for j in range(2):
            for i in range(128 // 16):
                sl = pl.ds(j * 128 + i * 16, 16)
                r = row_v[sl]
                cc = col_v[sl]
                dst = pl.ds(i * 16, 16)
                idx_v[j, dst] = cc * _N + r
                idx_v[j + 2, dst] = (_N * _N) + r * _N + cc
        plsc.subcore_barrier()
        for j in range(4):
            pltpu.sync_copy(ones_v, acc_sh.at[idx_v.at[j]], add=True)
        plsc.subcore_barrier()
        pltpu.sync_copy(acc_sh.at[pl.ds(zbase, _ACC_PER_SUB)],
                        out_hbm.at[c, pl.ds(zbase, _ACC_PER_SUB)])

    return _k(edge_index, zeros_acc)


def _attention(h, bias, Wq, bq, Wk, bk, Wv, bv, Wo, bo, g, be):
    f32 = jnp.float32
    Q = jnp.dot(h, Wq, preferred_element_type=f32) + bq
    K = jnp.dot(h, Wk, preferred_element_type=f32) + bk
    V = jnp.dot(h, Wv, preferred_element_type=f32) + bv
    scale = _DH ** -0.5
    outs = []
    for hd in range(_H):
        cs = slice(hd * _DH, (hd + 1) * _DH)
        S = lax.dot_general(Q[:, cs], K[:, cs], (((1,), (1,)), ((), ())),
                            preferred_element_type=f32) * scale + bias
        m = jnp.max(S, axis=1, keepdims=True)
        e = jnp.exp(S - m)
        w = e / jnp.sum(e, axis=1, keepdims=True)
        outs.append(jnp.dot(w, V[:, cs], preferred_element_type=f32))
    att = jnp.concatenate(outs, axis=1)
    o = jnp.dot(att, Wo, preferred_element_type=f32) + bo
    x = o + h
    mu = jnp.mean(x, axis=1, keepdims=True)
    var = jnp.mean((x - mu) ** 2, axis=1, keepdims=True)
    return (x - mu) * lax.rsqrt(var + 1e-5) * g + be


def _tc_body(x_ref, adj_ref, W_in_ref, b_in_ref, conv_W_ref, conv_b_ref,
             cg_ref, cb_ref,
             q1_ref, bq1_ref, k1_ref, bk1_ref, v1_ref, bv1_ref, o1_ref,
             bo1_ref, g1_ref, be1_ref,
             q2_ref, bq2_ref, k2_ref, bk2_ref, v2_ref, bv2_ref, o2_ref,
             bo2_ref, g2_ref, be2_ref,
             sw1_ref, sb1_ref, sw2_ref, sb2_ref, out_ref):
    f32 = jnp.float32
    xb = x_ref[0]
    A = adj_ref[0, 0] + adj_ref[1, 0]
    Mc = adj_ref[0, 1] + adj_ref[1, 1]
    h = jnp.dot(xb, W_in_ref[...], preferred_element_type=f32) + b_in_ref[...]
    t = jnp.dot(h, conv_W_ref[...], preferred_element_type=f32) + conv_b_ref[...]
    agg = jnp.dot(A, t, preferred_element_type=f32)
    deg = jnp.maximum(jnp.sum(Mc, axis=1, keepdims=True), 1.0)
    out = agg / deg + t
    out = out * (cg_ref[...] * np.float32(1.0 / np.sqrt(1.0 + 1e-5))) + cb_ref[...]
    h = jnp.maximum(out, 0.0)
    ri = lax.broadcasted_iota(jnp.int32, (_N, _N), 0)
    ci = lax.broadcasted_iota(jnp.int32, (_N, _N), 1)
    allowed = (Mc > 0.0) | (ri == ci)
    bias = jnp.where(allowed, 0.0, -1e30)
    h = _attention(h, bias, q1_ref[...], bq1_ref[...], k1_ref[...],
                   bk1_ref[...], v1_ref[...], bv1_ref[...], o1_ref[...],
                   bo1_ref[...], g1_ref[...], be1_ref[...])
    h = _attention(h, bias, q2_ref[...], bq2_ref[...], k2_ref[...],
                   bk2_ref[...], v2_ref[...], bv2_ref[...], o2_ref[...],
                   bo2_ref[...], g2_ref[...], be2_ref[...])
    mu = jnp.mean(h, axis=1, keepdims=True)
    sq = jnp.sum((h - mu) ** 2, axis=1, keepdims=True) / np.float32(_D - 1)
    e1 = lax.dot_general(sw1_ref[...], sq, (((0,), (0,)), ((), ())),
                         preferred_element_type=f32) + sb1_ref[...]
    e1 = jnp.maximum(e1, 0.0)
    e2 = lax.dot_general(sw2_ref[...], e1, (((0,), (0,)), ((), ())),
                         preferred_element_type=f32) + sb2_ref[...]
    ex = 1.0 / (1.0 + jnp.exp(-e2))
    out_ref[0] = h * ex


def _full(shape):
    return pl.BlockSpec(shape, lambda b: (0,) * len(shape))


def kernel(x, edge_index, W_in, b_in, conv_W, conv_b, conv_gamma, conv_beta,
           att1_Wq, att1_bq, att1_Wk, att1_bk, att1_Wv, att1_bv, att1_Wo,
           att1_bo, att1_g, att1_be, att2_Wq, att2_bq, att2_Wk, att2_bk,
           att2_Wv, att2_bv, att2_Wo, att2_bo, att2_g, att2_be,
           se_W1, se_b1, se_W2, se_b2):
    adj = _adj_counts_sc(edge_index, jnp.zeros((_ACC,), jnp.float32))
    adj = adj.reshape(_NC, 2, _N, _N)

    row = lambda v: v.reshape(1, -1)
    col = lambda v: v.reshape(-1, 1)
    dense = pl.pallas_call(
        _tc_body,
        grid=(_B // _BPP,),
        in_specs=[
            pl.BlockSpec((_BPP, _N, _D), lambda b: (b, 0, 0)),
            _full((_NC, 2, _N, _N)),
            _full((_D, _D)), _full((1, _D)),
            _full((_D, _D)), _full((1, _D)),
            _full((1, _D)), _full((1, _D)),
            _full((_D, _D)), _full((1, _D)),
            _full((_D, _D)), _full((1, _D)),
            _full((_D, _D)), _full((1, _D)),
            _full((_D, _D)), _full((1, _D)),
            _full((1, _D)), _full((1, _D)),
            _full((_D, _D)), _full((1, _D)),
            _full((_D, _D)), _full((1, _D)),
            _full((_D, _D)), _full((1, _D)),
            _full((_D, _D)), _full((1, _D)),
            _full((1, _D)), _full((1, _D)),
            _full((_N, _N // 4)), _full((_N // 4, 1)),
            _full((_N // 4, _N)), _full((_N, 1)),
        ],
        out_specs=pl.BlockSpec((_BPP, _N, _D), lambda b: (b, 0, 0)),
        out_shape=jax.ShapeDtypeStruct((_B, _N, _D), jnp.float32),
    )
    return dense(
        x, adj,
        W_in, row(b_in), conv_W, row(conv_b), row(conv_gamma), row(conv_beta),
        att1_Wq, row(att1_bq), att1_Wk, row(att1_bk), att1_Wv, row(att1_bv),
        att1_Wo, row(att1_bo), row(att1_g), row(att1_be),
        att2_Wq, row(att2_bq), att2_Wk, row(att2_bk), att2_Wv, row(att2_bv),
        att2_Wo, row(att2_bo), row(att2_g), row(att2_be),
        se_W1, col(se_b1), se_W2, col(se_b2),
    )

# --- scband reference (transcript-rebuilt; emitter-appended) ---
"""Pipeline reference for scband-gnnfusion-layer-47777216201173 (READ-ONLY COPY).

The authoritative reference and input builder live on the scoring server;
editing this copy changes nothing except your own understanding.
"""

import jax, jax.numpy as jnp
import numpy as np

B, N, D, E, H = 16, 512, 256, 8192, 4
DH = D // H

def _lin(k, fin, fout):
    k1, k2 = jax.random.split(k)
    lim = 1.0 / np.sqrt(fin)
    W = jax.random.uniform(k1, (fin, fout), minval=-lim, maxval=lim, dtype=jnp.float32)
    b = jax.random.uniform(k2, (fout,), minval=-lim, maxval=lim, dtype=jnp.float32)
    return W, b

def setup_inputs(seed: int = 0):
    key = jax.random.key(seed)
    ks = jax.random.split(key, 16)
    inp = {}
    inp['x'] = jax.random.normal(ks[0], (B, N, D), dtype=jnp.float32)
    inp['edge_index'] = jax.random.randint(ks[1], (2, E), 0, N, dtype=jnp.int32)
    inp['W_in'], inp['b_in'] = _lin(ks[2], D, D)
    inp['conv_W'], inp['conv_b'] = _lin(ks[3], D, D)
    inp['conv_gamma'] = jnp.ones((D,), jnp.float32)
    inp['conv_beta'] = jnp.zeros((D,), jnp.float32)
    for i, kk in [(1, ks[4]), (2, ks[5])]:
        sub = jax.random.split(kk, 4)
        inp['att%d_Wq' % i], inp['att%d_bq' % i] = _lin(sub[0], D, D)
        inp['att%d_Wk' % i], inp['att%d_bk' % i] = _lin(sub[1], D, D)
        inp['att%d_Wv' % i], inp['att%d_bv' % i] = _lin(sub[2], D, D)
        inp['att%d_Wo' % i], inp['att%d_bo' % i] = _lin(sub[3], D, D)
        inp['att%d_g' % i] = jnp.ones((D,), jnp.float32)
        inp['att%d_be' % i] = jnp.zeros((D,), jnp.float32)
    inp['se_W1'], inp['se_b1'] = _lin(ks[6], N, N // 4)
    inp['se_W2'], inp['se_b2'] = _lin(ks[7], N // 4, N)
    return inp

def _layernorm(x, g, b):
    m = jnp.mean(x, axis=-1, keepdims=True)
    v = jnp.mean((x - m) ** 2, axis=-1, keepdims=True)
    return (x - m) / jnp.sqrt(v + 1e-5) * g + b

def _att(h, mask, Wq, bq, Wk, bk, Wv, bv, Wo, bo, g, be):
    Q = (h @ Wq + bq).reshape(B, N, H, DH).transpose(0, 2, 1, 3)
    K = (h @ Wk + bk).reshape(B, N, H, DH).transpose(0, 2, 1, 3)
    V = (h @ Wv + bv).reshape(B, N, H, DH).transpose(0, 2, 1, 3)
    scores = jnp.einsum('bhnd,bhmd->bhnm', Q, K) * (DH ** -0.5)
    scores = jnp.where(mask[None, None] == 0, -1e30, scores)
    w = jax.nn.softmax(scores, axis=-1)
    att = jnp.einsum('bhnm,bhmd->bhnd', w, V).transpose(0, 2, 1, 3).reshape(B, N, D)
    o = att @ Wo + bo
    return _layernorm(o + h, g, be)

def reference(x, edge_index, W_in, b_in, conv_W, conv_b, conv_gamma, conv_beta, att1_Wq, att1_bq, att1_Wk, att1_bk, att1_Wv, att1_bv, att1_Wo, att1_bo, att1_g, att1_be, att2_Wq, att2_bq, att2_Wk, att2_bk, att2_Wv, att2_bv, att2_Wo, att2_bo, att2_g, att2_be, se_W1, se_b1, se_W2, se_b2):
    row, col = edge_index[0], edge_index[1]
    h = x @ W_in + b_in
    # GraphConvLayer (layer 0), eval-mode BatchNorm (running mean 0, var 1)
    t = h @ conv_W + conv_b
    agg = jnp.zeros_like(t).at[:, col, :].add(t[:, row, :])
    deg = jnp.clip(jnp.bincount(row, length=N).astype(t.dtype), 1.0, None)
    out = agg / deg[None, :, None] + t
    out = out / jnp.sqrt(1.0 + 1e-5) * conv_gamma + conv_beta
    h = jax.nn.relu(out)
    # adjacency attention mask (N, N)
    mask = jnp.zeros((N, N), jnp.float32)
    mask = mask.at[jnp.arange(N), jnp.arange(N)].set(1.0)
    mask = mask.at[row, col].set(1.0)
    # GraphAttentionLayers (layers 1, 2)
    h = _att(h, mask, att1_Wq, att1_bq, att1_Wk, att1_bk, att1_Wv, att1_bv, att1_Wo, att1_bo, att1_g, att1_be)
    h = _att(h, mask, att2_Wq, att2_bq, att2_Wk, att2_bk, att2_Wv, att2_bv, att2_Wo, att2_bo, att2_g, att2_be)
    # StationSqueezeExcitation (torch.var default is unbiased -> ddof=1)
    sq = jnp.var(h, axis=2, ddof=1)
    ex = jax.nn.sigmoid(jax.nn.relu(sq @ se_W1 + se_b1) @ se_W2 + se_b2)
    return h * ex[:, :, None]

if __name__ == "__main__":
    import jax
    _d = setup_inputs()
    print(jax.jit(kernel)(*tuple(_d.values())))

</pallas_src>

<mosaic_0001>
#map = affine_map<(d0, d1) -> (0, 0)>
#map1 = affine_map<(d0, d1) -> (0)>
module attributes {stable_mosaic.version = 14 : i64} {
  func.func @_k(%arg0: i32, %arg1: i32, %arg2: memref<2x8192xi32, #tpu.memory_space<hbm>>, %arg3: memref<524288xf32, #tpu.memory_space<hbm>>, %arg4: memref<2x524288xf32, #tpu.memory_space<hbm>>, %arg5: memref<256xi32, #tpu.memory_space<vmem>>, %arg6: memref<256xi32, #tpu.memory_space<vmem>>, %arg7: memref<4x128xi32, #tpu.memory_space<vmem>>, %arg8: memref<128xf32, #tpu.memory_space<vmem>>, %arg9: memref<524288xf32, #tpu.memory_space<vmem_shared>>) attributes {dimension_semantics = [#tpu.dimension_semantics<core_parallel>, #tpu.dimension_semantics<subcore_parallel>], iteration_bounds = array<i64: 2, 16>, scalar_prefetch = 0 : i64, scratch_operands = 5 : i64, tpu.core_type = #tpu.core_type<sc_vector_subcore>, window_params = [{transform_indices = #map}, {transform_indices = #map1}, {transform_indices = #map}]} {
    %mul3A = arith.constant 16 : i32
    %mul3A_0 = arith.muli %arg0, %mul3A : i32
    %add3A = arith.addi %mul3A_0, %arg1 : i32
    %mul3A_1 = arith.constant 32768 : i32
    %mul3A_2 = arith.muli %arg1, %mul3A_1 : i32
    "tpu.region"() ({
      %run_scoped3A_520 = tpu.sem_alloc : memref<!tpu.dma_semaphore, #tpu.memory_space<semaphore_mem>>
      %dma_start3A = tpu.memref_slice %arg9[%mul3A_2] : memref<524288xf32, #tpu.memory_space<vmem_shared>> -> memref<32768xf32, #tpu.memory_space<vmem_shared>>
      %dma_start3A_521 = tpu.memref_slice %arg3[%mul3A_2] : memref<524288xf32, #tpu.memory_space<hbm>> -> memref<32768xf32, #tpu.memory_space<hbm>>
      tpu.enqueue_dma source(%dma_start3A_521 : memref<32768xf32, #tpu.memory_space<hbm>>) target(%dma_start3A : memref<32768xf32, #tpu.memory_space<vmem_shared>>) target_semaphore(%run_scoped3A_520 : memref<!tpu.dma_semaphore, #tpu.memory_space<semaphore_mem>>)
      %dma_wait3A = tpu.memref_slice %arg9[%mul3A_2] : memref<524288xf32, #tpu.memory_space<vmem_shared>> -> memref<32768xf32, #tpu.memory_space<vmem_shared>>
      %dma_wait3A_522 = tpu.memref_slice %arg3[%mul3A_2] : memref<524288xf32, #tpu.memory_space<hbm>> -> memref<32768xf32, #tpu.memory_space<hbm>>
      tpu.wait_dma2 semaphore(%run_scoped3A_520 : memref<!tpu.dma_semaphore, #tpu.memory_space<semaphore_mem>>) src(%dma_wait3A_522 : memref<32768xf32, #tpu.memory_space<hbm>>) dst(%dma_wait3A : memref<32768xf32, #tpu.memory_space<vmem_shared>>)
      tpu.yield
    }) : () -> ()
    %mul3A_3 = arith.constant 256 : i32
    %mul3A_4 = arith.muli %add3A, %mul3A_3 : i32
    %run_scoped3A = arith.constant 0 : i32
    "tpu.region"() ({
      %run_scoped3A_520 = tpu.sem_alloc : memref<!tpu.dma_semaphore, #tpu.memory_space<semaphore_mem>>
      %dma_start3A = tpu.memref_slice %arg2[%run_scoped3A, %mul3A_4] : memref<2x8192xi32, #tpu.memory_space<hbm>> -> memref<1x256xi32, #tpu.memory_space<hbm>>
      %dma_start3A_521 = tpu.memref_squeeze %dma_start3A : memref<1x256xi32, #tpu.memory_space<hbm>> -> memref<256xi32, #tpu.memory_space<hbm>>
      %dma_start3A_522 = tpu.memref_slice %arg2[%run_scoped3A, %mul3A_4] : memref<2x8192xi32, #tpu.memory_space<hbm>> -> memref<1x256xi32, #tpu.memory_space<hbm>>
      %dma_start3A_523 = tpu.memref_squeeze %dma_start3A_522 : memref<1x256xi32, #tpu.memory_space<hbm>> -> memref<256xi32, #tpu.memory_space<hbm>>
      tpu.enqueue_dma source(%dma_start3A_523 : memref<256xi32, #tpu.memory_space<hbm>>) target(%arg5 : memref<256xi32, #tpu.memory_space<vmem>>) target_semaphore(%run_scoped3A_520 : memref<!tpu.dma_semaphore, #tpu.memory_space<semaphore_mem>>)
      %dma_wait3A = tpu.memref_slice %arg2[%run_scoped3A, %mul3A_4] : memref<2x8192xi32, #tpu.memory_space<hbm>> -> memref<1x256xi32, #tpu.memory_space<hbm>>
      %dma_wait3A_524 = tpu.memref_squeeze %dma_wait3A : memref<1x256xi32, #tpu.memory_space<hbm>> -> memref<256xi32, #tpu.memory_space<hbm>>
      %dma_wait3A_525 = tpu.memref_slice %arg2[%run_scoped3A, %mul3A_4] : memref<2x8192xi32, #tpu.memory_space<hbm>> -> memref<1x256xi32, #tpu.memory_space<hbm>>
      %dma_wait3A_526 = tpu.memref_squeeze %dma_wait3A_525 : memref<1x256xi32, #tpu.memory_space<hbm>> -> memref<256xi32, #tpu.memory_space<hbm>>
      tpu.wait_dma2 semaphore(%run_scoped3A_520 : memref<!tpu.dma_semaphore, #tpu.memory_space<semaphore_mem>>) src(%dma_wait3A_526 : memref<256xi32, #tpu.memory_space<hbm>>) dst(%arg5 : memref<256xi32, #tpu.memory_space<vmem>>)
      tpu.yield
    }) : () -> ()
    %run_scoped3A_5 = arith.constant 1 : i32
    "tpu.region"() ({
      %run_scoped3A_520 = tpu.sem_alloc : memref<!tpu.dma_semaphore, #tpu.memory_space<semaphore_mem>>
      %dma_start3A = tpu.memref_slice %arg2[%run_scoped3A_5, %mul3A_4] : memref<2x8192xi32, #tpu.memory_space<hbm>> -> memref<1x256xi32, #tpu.memory_space<hbm>>
      %dma_start3A_521 = tpu.memref_squeeze %dma_start3A : memref<1x256xi32, #tpu.memory_space<hbm>> -> memref<256xi32, #tpu.memory_space<hbm>>
      %dma_start3A_522 = tpu.memref_slice %arg2[%run_scoped3A_5, %mul3A_4] : memref<2x8192xi32, #tpu.memory_space<hbm>> -> memref<1x256xi32, #tpu.memory_space<hbm>>
      %dma_start3A_523 = tpu.memref_squeeze %dma_start3A_522 : memref<1x256xi32, #tpu.memory_space<hbm>> -> memref<256xi32, #tpu.memory_space<hbm>>
      tpu.enqueue_dma source(%dma_start3A_523 : memref<256xi32, #tpu.memory_space<hbm>>) target(%arg6 : memref<256xi32, #tpu.memory_space<vmem>>) target_semaphore(%run_scoped3A_520 : memref<!tpu.dma_semaphore, #tpu.memory_space<semaphore_mem>>)
      %dma_wait3A = tpu.memref_slice %arg2[%run_scoped3A_5, %mul3A_4] : memref<2x8192xi32, #tpu.memory_space<hbm>> -> memref<1x256xi32, #tpu.memory_space<hbm>>
      %dma_wait3A_524 = tpu.memref_squeeze %dma_wait3A : memref<1x256xi32, #tpu.memory_space<hbm>> -> memref<256xi32, #tpu.memory_space<hbm>>
      %dma_wait3A_525 = tpu.memref_slice %arg2[%run_scoped3A_5, %mul3A_4] : memref<2x8192xi32, #tpu.memory_space<hbm>> -> memref<1x256xi32, #tpu.memory_space<hbm>>
      %dma_wait3A_526 = tpu.memref_squeeze %dma_wait3A_525 : memref<1x256xi32, #tpu.memory_space<hbm>> -> memref<256xi32, #tpu.memory_space<hbm>>
      tpu.wait_dma2 semaphore(%run_scoped3A_520 : memref<!tpu.dma_semaphore, #tpu.memory_space<semaphore_mem>>) src(%dma_wait3A_526 : memref<256xi32, #tpu.memory_space<hbm>>) dst(%arg6 : memref<256xi32, #tpu.memory_space<vmem>>)
      tpu.yield
    }) : () -> ()
    %broadcast_in_dim3A = arith.constant 1.000000e+00 : f32
    %broadcast_in_dim3A_6 = vector.broadcast %broadcast_in_dim3A : f32 to vector<16xf32>
    %swap3A = arith.constant 0 : index
    %swap3A_7 = tpu.vector_load %arg8[%swap3A] {strides = array<i32>} : memref<128xf32, #tpu.memory_space<vmem>>, vector<16xf32>,
    %swap3A_8 = vector.shape_cast %swap3A_7 : vector<16xf32> to vector<16xf32>
    %swap3A_9 = vector.shape_cast %broadcast_in_dim3A_6 : vector<16xf32> to vector<16xf32>
    tpu.vector_store %arg8[%swap3A], %swap3A_9 {strides = array<i32>} : memref<128xf32, #tpu.memory_space<vmem>>, vector<16xf32>,
    %broadcast_in_dim3A_10 = arith.constant 1.000000e+00 : f32
    %broadcast_in_dim3A_11 = vector.broadcast %broadcast_in_dim3A_10 : f32 to vector<16xf32>
    %swap3A_12 = arith.constant 16 : index
    %swap3A_13 = tpu.vector_load %arg8[%swap3A_12] {strides = array<i32>} : memref<128xf32, #tpu.memory_space<vmem>>, vector<16xf32>,
    %swap3A_14 = vector.shape_cast %swap3A_13 : vector<16xf32> to vector<16xf32>
    %swap3A_15 = vector.shape_cast %broadcast_in_dim3A_11 : vector<16xf32> to vector<16xf32>
    tpu.vector_store %arg8[%swap3A_12], %swap3A_15 {strides = array<i32>} : memref<128xf32, #tpu.memory_space<vmem>>, vector<16xf32>,
    %broadcast_in_dim3A_16 = arith.constant 1.000000e+00 : f32
    %broadcast_in_dim3A_17 = vector.broadcast %broadcast_in_dim3A_16 : f32 to vector<16xf32>
    %swap3A_18 = arith.constant 32 : index
    %swap3A_19 = tpu.vector_load %arg8[%swap3A_18] {strides = array<i32>} : memref<128xf32, #tpu.memory_space<vmem>>, vector<16xf32>,
    %swap3A_20 = vector.shape_cast %swap3A_19 : vector<16xf32> to vector<16xf32>
    %swap3A_21 = vector.shape_cast %broadcast_in_dim3A_17 : vector<16xf32> to vector<16xf32>
    tpu.vector_store %arg8[%swap3A_18], %swap3A_21 {strides = array<i32>} : memref<128xf32, #tpu.memory_space<vmem>>, vector<16xf32>,
    %broadcast_in_dim3A_22 = arith.constant 1.000000e+00 : f32
    %broadcast_in_dim3A_23 = vector.broadcast %broadcast_in_dim3A_22 : f32 to vector<16xf32>
    %swap3A_24 = arith.constant 48 : index
    %swap3A_25 = tpu.vector_load %arg8[%swap3A_24] {strides = array<i32>} : memref<128xf32, #tpu.memory_space<vmem>>, vector<16xf32>,
    %swap3A_26 = vector.shape_cast %swap3A_25 : vector<16xf32> to vector<16xf32>
    %swap3A_27 = vector.shape_cast %broadcast_in_dim3A_23 : vector<16xf32> to vector<16xf32>
    tpu.vector_store %arg8[%swap3A_24], %swap3A_27 {strides = array<i32>} : memref<128xf32, #tpu.memory_space<vmem>>, vector<16xf32>,
    %broadcast_in_dim3A_28 = arith.constant 1.000000e+00 : f32
    %broadcast_in_dim3A_29 = vector.broadcast %broadcast_in_dim3A_28 : f32 to vector<16xf32>
    %swap3A_30 = arith.constant 64 : index
    %swap3A_31 = tpu.vector_load %arg8[%swap3A_30] {strides = array<i32>} : memref<128xf32, #tpu.memory_space<vmem>>, vector<16xf32>,
    %swap3A_32 = vector.shape_cast %swap3A_31 : vector<16xf32> to vector<16xf32>
    %swap3A_33 = vector.shape_cast %broadcast_in_dim3A_29 : vector<16xf32> to vector<16xf32>
    tpu.vector_store %arg8[%swap3A_30], %swap3A_33 {strides = array<i32>} : memref<128xf32, #tpu.memory_space<vmem>>, vector<16xf32>,
    %broadcast_in_dim3A_34 = arith.constant 1.000000e+00 : f32
    %broadcast_in_dim3A_35 = vector.broadcast %broadcast_in_dim3A_34 : f32 to vector<16xf32>
    %swap3A_36 = arith.constant 80 : index
    %swap3A_37 = tpu.vector_load %arg8[%swap3A_36] {strides = array<i32>} : memref<128xf32, #tpu.memory_space<vmem>>, vector<16xf32>,
    %swap3A_38 = vector.shape_cast %swap3A_37 : vector<16xf32> to vector<16xf32>
    %swap3A_39 = vector.shape_cast %broadcast_in_dim3A_35 : vector<16xf32> to vector<16xf32>
    tpu.vector_store %arg8[%swap3A_36], %swap3A_39 {strides = array<i32>} : memref<128xf32, #tpu.memory_space<vmem>>, vector<16xf32>,
    %broadcast_in_dim3A_40 = arith.constant 1.000000e+00 : f32
    %broadcast_in_dim3A_41 = vector.broadcast %broadcast_in_dim3A_40 : f32 to vector<16xf32>
    %swap3A_42 = arith.constant 96 : index
    %swap3A_43 = tpu.vector_load %arg8[%swap3A_42] {strides = array<i32>} : memref<128xf32, #tpu.memory_space<vmem>>, vector<16xf32>,
    %swap3A_44 = vector.shape_cast %swap3A_43 : vector<16xf32> to vector<16xf32>
    %swap3A_45 = vector.shape_cast %broadcast_in_dim3A_41 : vector<16xf32> to vector<16xf32>
    tpu.vector_store %arg8[%swap3A_42], %swap3A_45 {strides = array<i32>} : memref<128xf32, #tpu.memory_space<vmem>>, vector<16xf32>,
    %broadcast_in_dim3A_46 = arith.constant 1.000000e+00 : f32
    %broadcast_in_dim3A_47 = vector.broadcast %broadcast_in_dim3A_46 : f32 to vector<16xf32>
    %swap3A_48 = arith.constant 112 : index
    %swap3A_49 = tpu.vector_load %arg8[%swap3A_48] {strides = array<i32>} : memref<128xf32, #tpu.memory_space<vmem>>, vector<16xf32>,
    %swap3A_50 = vector.shape_cast %swap3A_49 : vector<16xf32> to vector<16xf32>
    %swap3A_51 = vector.shape_cast %broadcast_in_dim3A_47 : vector<16xf32> to vector<16xf32>
    tpu.vector_store %arg8[%swap3A_48], %swap3A_51 {strides = array<i32>} : memref<128xf32, #tpu.memory_space<vmem>>, vector<16xf32>,
    %get3A = arith.constant 0 : index
    %get3A_52 = tpu.vector_load %arg5[%get3A] {strides = array<i32>} : memref<256xi32, #tpu.memory_space<vmem>>, vector<16xi32>,
    %get3A_53 = vector.shape_cast %get3A_52 : vector<16xi32> to vector<16xi32>
    %get3A_54 = arith.constant 0 : index
    %get3A_55 = tpu.vector_load %arg6[%get3A_54] {strides = array<i32>} : memref<256xi32, #tpu.memory_space<vmem>>, vector<16xi32>,
    %get3A_56 = vector.shape_cast %get3A_55 : vector<16xi32> to vector<16xi32>
    %mul3A_57 = arith.constant 512 : i32
    %mul3A_58 = vector.broadcast %mul3A_57 : i32 to vector<16xi32>
    %mul3A_59 = arith.muli %get3A_56, %mul3A_58 : vector<16xi32>
    %add3A_60 = arith.addi %mul3A_59, %get3A_53 : vector<16xi32>
    %swap3A_61 = arith.constant 0 : i32
    %swap3A_62 = arith.index_cast %swap3A_61 : i32 to index
    %swap3A_63 = arith.constant 0 : index
    %swap3A_64 = tpu.vector_load %arg7[%swap3A_62, %swap3A_63] {strides = array<i32>} : memref<4x128xi32, #tpu.memory_space<vmem>>, vector<1x16xi32>,
    %swap3A_65 = vector.shape_cast %swap3A_64 : vector<1x16xi32> to vector<16xi32>
    %swap3A_66 = vector.shape_cast %add3A_60 : vector<16xi32> to vector<1x16xi32>
    tpu.vector_store %arg7[%swap3A_62, %swap3A_63], %swap3A_66 {strides = array<i32>} : memref<4x128xi32, #tpu.memory_space<vmem>>, vector<1x16xi32>,
    %mul3A_67 = arith.constant 512 : i32
    %mul3A_68 = vector.broadcast %mul3A_67 : i32 to vector<16xi32>
    %mul3A_69 = arith.muli %get3A_53, %mul3A_68 : vector<16xi32>
    %add3A_70 = arith.constant 262144 : i32
    %add3A_71 = vector.broadcast %add3A_70 : i32 to vector<16xi32>
    %add3A_72 = arith.addi %add3A_71, %mul3A_69 : vector<16xi32>
    %add3A_73 = arith.addi %add3A_72, %get3A_56 : vector<16xi32>
    %swap3A_74 = arith.constant 2 : i32
    %swap3A_75 = arith.index_cast %swap3A_74 : i32 to index
    %swap3A_76 = arith.constant 0 : index
    %swap3A_77 = tpu.vector_load %arg7[%swap3A_75, %swap3A_76] {strides = array<i32>} : memref<4x128xi32, #tpu.memory_space<vmem>>, vector<1x16xi32>,
    %swap3A_78 = vector.shape_cast %swap3A_77 : vector<1x16xi32> to vector<16xi32>
    %swap3A_79 = vector.shape_cast %add3A_73 : vector<16xi32> to vector<1x16xi32>
    tpu.vector_store %arg7[%swap3A_75, %swap3A_76], %swap3A_79 {strides = array<i32>} : memref<4x128xi32, #tpu.memory_space<vmem>>, vector<1x16xi32>,
    %get3A_80 = arith.constant 16 : index
    %get3A_81 = tpu.vector_load %arg5[%get3A_80] {strides = array<i32>} : memref<256xi32, #tpu.memory_space<vmem>>, vector<16xi32>,
    %get3A_82 = vector.shape_cast %get3A_81 : vector<16xi32> to vector<16xi32>
    %get3A_83 = arith.constant 16 : index
    %get3A_84 = tpu.vector_load %arg6[%get3A_83] {strides = array<i32>} : memref<256xi32, #tpu.memory_space<vmem>>, vector<16xi32>,
    %get3A_85 = vector.shape_cast %get3A_84 : vector<16xi32> to vector<16xi32>
    %mul3A_86 = arith.constant 512 : i32
    %mul3A_87 = vector.broadcast %mul3A_86 : i32 to vector<16xi32>
    %mul3A_88 = arith.muli %get3A_85, %mul3A_87 : vector<16xi32>
    %add3A_89 = arith.addi %mul3A_88, %get3A_82 : vector<16xi32>
    %swap3A_90 = arith.constant 0 : i32
    %swap3A_91 = arith.index_cast %swap3A_90 : i32 to index
    %swap3A_92 = arith.constant 16 : index
    %swap3A_93 = tpu.vector_load %arg7[%swap3A_91, %swap3A_92] {strides = array<i32>} : memref<4x128xi32, #tpu.memory_space<vmem>>, vector<1x16xi32>,
    %swap3A_94 = vector.shape_cast %swap3A_93 : vector<1x16xi32> to vector<16xi32>
    %swap3A_95 = vector.shape_cast %add3A_89 : vector<16xi32> to vector<1x16xi32>
    tpu.vector_store %arg7[%swap3A_91, %swap3A_92], %swap3A_95 {strides = array<i32>} : memref<4x128xi32, #tpu.memory_space<vmem>>, vector<1x16xi32>,
    %mul3A_96 = arith.constant 512 : i32
    %mul3A_97 = vector.broadcast %mul3A_96 : i32 to vector<16xi32>
    %mul3A_98 = arith.muli %get3A_82, %mul3A_97 : vector<16xi32>
    %add3A_99 = arith.constant 262144 : i32
    %add3A_100 = vector.broadcast %add3A_99 : i32 to vector<16xi32>
    %add3A_101 = arith.addi %add3A_100, %mul3A_98 : vector<16xi32>
    %add3A_102 = arith.addi %add3A_101, %get3A_85 : vector<16xi32>
    %swap3A_103 = arith.constant 2 : i32
    %swap3A_104 = arith.index_cast %swap3A_103 : i32 to index
    %swap3A_105 = arith.constant 16 : index
    %swap3A_106 = tpu.vector_load %arg7[%swap3A_104, %swap3A_105] {strides = array<i32>} : memref<4x128xi32, #tpu.memory_space<vmem>>, vector<1x16xi32>,
    %swap3A_107 = vector.shape_cast %swap3A_106 : vector<1x16xi32> to vector<16xi32>
    %swap3A_108 = vector.shape_cast %add3A_102 : vector<16xi32> to vector<1x16xi32>
    tpu.vector_store %arg7[%swap3A_104, %swap3A_105], %swap3A_108 {strides = array<i32>} : memref<4x128xi32, #tpu.memory_space<vmem>>, vector<1x16xi32>,
    %get3A_109 = arith.constant 32 : index
    %get3A_110 = tpu.vector_load %arg5[%get3A_109] {strides = array<i32>} : memref<256xi32, #tpu.memory_space<vmem>>, vector<16xi32>,
    %get3A_111 = vector.shape_cast %get3A_110 : vector<16xi32> to vector<16xi32>
    %get3A_112 = arith.constant 32 : index
    %get3A_113 = tpu.vector_load %arg6[%get3A_112] {strides = array<i32>} : memref<256xi32, #tpu.memory_space<vmem>>, vector<16xi32>,
    %get3A_114 = vector.shape_cast %get3A_113 : vector<16xi32> to vector<16xi32>
    %mul3A_115 = arith.constant 512 : i32
    %mul3A_116 = vector.broadcast %mul3A_115 : i32 to vector<16xi32>
    %mul3A_117 = arith.muli %get3A_114, %mul3A_116 : vector<16xi32>
    %add3A_118 = arith.addi %mul3A_117, %get3A_111 : vector<16xi32>
    %swap3A_119 = arith.constant 0 : i32
    %swap3A_120 = arith.index_cast %swap3A_119 : i32 to index
    %swap3A_121 = arith.constant 32 : index
    %swap3A_122 = tpu.vector_load %arg7[%swap3A_120, %swap3A_121] {strides = array<i32>} : memref<4x128xi32, #tpu.memory_space<vmem>>, vector<1x16xi32>,
    %swap3A_123 = vector.shape_cast %swap3A_122 : vector<1x16xi32> to vector<16xi32>
    %swap3A_124 = vector.shape_cast %add3A_118 : vector<16xi32> to vector<1x16xi32>
    tpu.vector_store %arg7[%swap3A_120, %swap3A_121], %swap3A_124 {strides = array<i32>} : memref<4x128xi32, #tpu.memory_space<vmem>>, vector<1x16xi32>,
    %mul3A_125 = arith.constant 512 : i32
    %mul3A_126 = vector.broadcast %mul3A_125 : i32 to vector<16xi32>
    %mul3A_127 = arith.muli %get3A_111, %mul3A_126 : vector<16xi32>
    %add3A_128 = arith.constant 262144 : i32
    %add3A_129 = vector.broadcast %add3A_128 : i32 to vector<16xi32>
    %add3A_130 = arith.addi %add3A_129, %mul3A_127 : vector<16xi32>
    %add3A_131 = arith.addi %add3A_130, %get3A_114 : vector<16xi32>
    %swap3A_132 = arith.constant 2 : i32
    %swap3A_133 = arith.index_cast %swap3A_132 : i32 to index
    %swap3A_134 = arith.constant 32 : index
    %swap3A_135 = tpu.vector_load %arg7[%swap3A_133, %swap3A_134] {strides = array<i32>} : memref<4x128xi32, #tpu.memory_space<vmem>>, vector<1x16xi32>,
    %swap3A_136 = vector.shape_cast %swap3A_135 : vector<1x16xi32> to vector<16xi32>
    %swap3A_137 = vector.shape_cast %add3A_131 : vector<16xi32> to vector<1x16xi32>
    tpu.vector_store %arg7[%swap3A_133, %swap3A_134], %swap3A_137 {strides = array<i32>} : memref<4x128xi32, #tpu.memory_space<vmem>>, vector<1x16xi32>,
    %get3A_138 = arith.constant 48 : index
    %get3A_139 = tpu.vector_load %arg5[%get3A_138] {strides = array<i32>} : memref<256xi32, #tpu.memory_space<vmem>>, vector<16xi32>,
    %get3A_140 = vector.shape_cast %get3A_139 : vector<16xi32> to vector<16xi32>
    %get3A_141 = arith.constant 48 : index
    %get3A_142 = tpu.vector_load %arg6[%get3A_141] {strides = array<i32>} : memref<256xi32, #tpu.memory_space<vmem>>, vector<16xi32>,
    %get3A_143 = vector.shape_cast %get3A_142 : vector<16xi32> to vector<16xi32>
    %mul3A_144 = arith.constant 512 : i32
    %mul3A_145 = vector.broadcast %mul3A_144 : i32 to vector<16xi32>
    %mul3A_146 = arith.muli %get3A_143, %mul3A_145 : vector<16xi32>
    %add3A_147 = arith.addi %mul3A_146, %get3A_140 : vector<16xi32>
    %swap3A_148 = arith.constant 0 : i32
    %swap3A_149 = arith.index_cast %swap3A_148 : i32 to index
    %swap3A_150 = arith.constant 48 : index
    %swap3A_151 = tpu.vector_load %arg7[%swap3A_149, %swap3A_150] {strides = array<i32>} : memref<4x128xi32, #tpu.memory_space<vmem>>, vector<1x16xi32>,
    %swap3A_152 = vector.shape_cast %swap3A_151 : vector<1x16xi32> to vector<16xi32>
    %swap3A_153 = vector.shape_cast %add3A_147 : vector<16xi32> to vector<1x16xi32>
    tpu.vector_store %arg7[%swap3A_149, %swap3A_150], %swap3A_153 {strides = array<i32>} : memref<4x128xi32, #tpu.memory_space<vmem>>, vector<1x16xi32>,
    %mul3A_154 = arith.constant 512 : i32
    %mul3A_155 = vector.broadcast %mul3A_154 : i32 to vector<16xi32>
    %mul3A_156 = arith.muli %get3A_140, %mul3A_155 : vector<16xi32>
    %add3A_157 = arith.constant 262144 : i32
    %add3A_158 = vector.broadcast %add3A_157 : i32 to vector<16xi32>
    %add3A_159 = arith.addi %add3A_158, %mul3A_156 : vector<16xi32>
    %add3A_160 = arith.addi %add3A_159, %get3A_143 : vector<16xi32>
    %swap3A_161 = arith.constant 2 : i32
    %swap3A_162 = arith.index_cast %swap3A_161 : i32 to index
    %swap3A_163 = arith.constant 48 : index
    %swap3A_164 = tpu.vector_load %arg7[%swap3A_162, %swap3A_163] {strides = array<i32>} : memref<4x128xi32, #tpu.memory_space<vmem>>, vector<1x16xi32>,
    %swap3A_165 = vector.shape_cast %swap3A_164 : vector<1x16xi32> to vector<16xi32>
    %swap3A_166 = vector.shape_cast %add3A_160 : vector<16xi32> to vector<1x16xi32>
    tpu.vector_store %arg7[%swap3A_162, %swap3A_163], %swap3A_166 {strides = array<i32>} : memref<4x128xi32, #tpu.memory_space<vmem>>, vector<1x16xi32>,
    %get3A_167 = arith.constant 64 : index
    %get3A_168 = tpu.vector_load %arg5[%get3A_167] {strides = array<i32>} : memref<256xi32, #tpu.memory_space<vmem>>, vector<16xi32>,
    %get3A_169 = vector.shape_cast %get3A_168 : vector<16xi32> to vector<16xi32>
    %get3A_170 = arith.constant 64 : index
    %get3A_171 = tpu.vector_load %arg6[%get3A_170] {strides = array<i32>} : memref<256xi32, #tpu.memory_space<vmem>>, vector<16xi32>,
    %get3A_172 = vector.shape_cast %get3A_171 : vector<16xi32> to vector<16xi32>
    %mul3A_173 = arith.constant 512 : i32
    %mul3A_174 = vector.broadcast %mul3A_173 : i32 to vector<16xi32>
    %mul3A_175 = arith.muli %get3A_172, %mul3A_174 : vector<16xi32>
    %add3A_176 = arith.addi %mul3A_175, %get3A_169 : vector<16xi32>
    %swap3A_177 = arith.constant 0 : i32
    %swap3A_178 = arith.index_cast %swap3A_177 : i32 to index
    %swap3A_179 = arith.constant 64 : index
    %swap3A_180 = tpu.vector_load %arg7[%swap3A_178, %swap3A_179] {strides = array<i32>} : memref<4x128xi32, #tpu.memory_space<vmem>>, vector<1x16xi32>,
    %swap3A_181 = vector.shape_cast %swap3A_180 : vector<1x16xi32> to vector<16xi32>
    %swap3A_182 = vector.shape_cast %add3A_176 : vector<16xi32> to vector<1x16xi32>
    tpu.vector_store %arg7[%swap3A_178, %swap3A_179], %swap3A_182 {strides = array<i32>} : memref<4x128xi32, #tpu.memory_space<vmem>>, vector<1x16xi32>,
    %mul3A_183 = arith.constant 512 : i32
    %mul3A_184 = vector.broadcast %mul3A_183 : i32 to vector<16xi32>
    %mul3A_185 = arith.muli %get3A_169, %mul3A_184 : vector<16xi32>
    %add3A_186 = arith.constant 262144 : i32
    %add3A_187 = vector.broadcast %add3A_186 : i32 to vector<16xi32>
    %add3A_188 = arith.addi %add3A_187, %mul3A_185 : vector<16xi32>
    %add3A_189 = arith.addi %add3A_188, %get3A_172 : vector<16xi32>
    %swap3A_190 = arith.constant 2 : i32
    %swap3A_191 = arith.index_cast %swap3A_190 : i32 to index
    %swap3A_192 = arith.constant 64 : index
    %swap3A_193 = tpu.vector_load %arg7[%swap3A_191, %swap3A_192] {strides = array<i32>} : memref<4x128xi32, #tpu.memory_space<vmem>>, vector<1x16xi32>,
    %swap3A_194 = vector.shape_cast %swap3A_193 : vector<1x16xi32> to vector<16xi32>
    %swap3A_195 = vector.shape_cast %add3A_189 : vector<16xi32> to vector<1x16xi32>
    tpu.vector_store %arg7[%swap3A_191, %swap3A_192], %swap3A_195 {strides = array<i32>} : memref<4x128xi32, #tpu.memory_space<vmem>>, vector<1x16xi32>,
    %get3A_196 = arith.constant 80 : index
    %get3A_197 = tpu.vector_load %arg5[%get3A_196] {strides = array<i32>} : memref<256xi32, #tpu.memory_space<vmem>>, vector<16xi32>,
    %get3A_198 = vector.shape_cast %get3A_197 : vector<16xi32> to vector<16xi32>
    %get3A_199 = arith.constant 80 : index
    %get3A_200 = tpu.vector_load %arg6[%get3A_199] {strides = array<i32>} : memref<256xi32, #tpu.memory_space<vmem>>, vector<16xi32>,
    %get3A_201 = vector.shape_cast %get3A_200 : vector<16xi32> to vector<16xi32>
    %mul3A_202 = arith.constant 512 : i32
    %mul3A_203 = vector.broadcast %mul3A_202 : i32 to vector<16xi32>
    %mul3A_204 = arith.muli %get3A_201, %mul3A_203 : vector<16xi32>
    %add3A_205 = arith.addi %mul3A_204, %get3A_198 : vector<16xi32>
    %swap3A_206 = arith.constant 0 : i32
    %swap3A_207 = arith.index_cast %swap3A_206 : i32 to index
    %swap3A_208 = arith.constant 80 : index
    %swap3A_209 = tpu.vector_load %arg7[%swap3A_207, %swap3A_208] {strides = array<i32>} : memref<4x128xi32, #tpu.memory_space<vmem>>, vector<1x16xi32>,
    %swap3A_210 = vector.shape_cast %swap3A_209 : vector<1x16xi32> to vector<16xi32>
    %swap3A_211 = vector.shape_cast %add3A_205 : vector<16xi32> to vector<1x16xi32>
    tpu.vector_store %arg7[%swap3A_207, %swap3A_208], %swap3A_211 {strides = array<i32>} : memref<4x128xi32, #tpu.memory_space<vmem>>, vector<1x16xi32>,
    %mul3A_212 = arith.constant 512 : i32
    %mul3A_213 = vector.broadcast %mul3A_212 : i32 to vector<16xi32>
    %mul3A_214 = arith.muli %get3A_198, %mul3A_213 : vector<16xi32>
    %add3A_215 = arith.constant 262144 : i32
    %add3A_216 = vector.broadcast %add3A_215 : i32 to vector<16xi32>
    %add3A_217 = arith.addi %add3A_216, %mul3A_214 : vector<16xi32>
    %add3A_218 = arith.addi %add3A_217, %get3A_201 : vector<16xi32>
    %swap3A_219 = arith.constant 2 : i32
    %swap3A_220 = arith.index_cast %swap3A_219 : i32 to index
    %swap3A_221 = arith.constant 80 : index
    %swap3A_222 = tpu.vector_load %arg7[%swap3A_220, %swap3A_221] {strides = array<i32>} : memref<4x128xi32, #tpu.memory_space<vmem>>, vector<1x16xi32>,
    %swap3A_223 = vector.shape_cast %swap3A_222 : vector<1x16xi32> to vector<16xi32>
    %swap3A_224 = vector.shape_cast %add3A_218 : vector<16xi32> to vector<1x16xi32>
    tpu.vector_store %arg7[%swap3A_220, %swap3A_221], %swap3A_224 {strides = array<i32>} : memref<4x128xi32, #tpu.memory_space<vmem>>, vector<1x16xi32>,
    %get3A_225 = arith.constant 96 : index
    %get3A_226 = tpu.vector_load %arg5[%get3A_225] {strides = array<i32>} : memref<256xi32, #tpu.memory_space<vmem>>, vector<16xi32>,
    %get3A_227 = vector.shape_cast %get3A_226 : vector<16xi32> to vector<16xi32>
    %get3A_228 = arith.constant 96 : index
    %get3A_229 = tpu.vector_load %arg6[%get3A_228] {strides = array<i32>} : memref<256xi32, #tpu.memory_space<vmem>>, vector<16xi32>,
    %get3A_230 = vector.shape_cast %get3A_229 : vector<16xi32> to vector<16xi32>
    %mul3A_231 = arith.constant 512 : i32
    %mul3A_232 = vector.broadcast %mul3A_231 : i32 to vector<16xi32>
    %mul3A_233 = arith.muli %get3A_230, %mul3A_232 : vector<16xi32>
    %add3A_234 = arith.addi %mul3A_233, %get3A_227 : vector<16xi32>
    %swap3A_235 = arith.constant 0 : i32
    %swap3A_236 = arith.index_cast %swap3A_235 : i32 to index
    %swap3A_237 = arith.constant 96 : index
    %swap3A_238 = tpu.vector_load %arg7[%swap3A_236, %swap3A_237] {strides = array<i32>} : memref<4x128xi32, #tpu.memory_space<vmem>>, vector<1x16xi32>,
    %swap3A_239 = vector.shape_cast %swap3A_238 : vector<1x16xi32> to vector<16xi32>
    %swap3A_240 = vector.shape_cast %add3A_234 : vector<16xi32> to vector<1x16xi32>
    tpu.vector_store %arg7[%swap3A_236, %swap3A_237], %swap3A_240 {strides = array<i32>} : memref<4x128xi32, #tpu.memory_space<vmem>>, vector<1x16xi32>,
    %mul3A_241 = arith.constant 512 : i32
    %mul3A_242 = vector.broadcast %mul3A_241 : i32 to vector<16xi32>
    %mul3A_243 = arith.muli %get3A_227, %mul3A_242 : vector<16xi32>
    %add3A_244 = arith.constant 262144 : i32
    %add3A_245 = vector.broadcast %add3A_244 : i32 to vector<16xi32>
    %add3A_246 = arith.addi %add3A_245, %mul3A_243 : vector<16xi32>
    %add3A_247 = arith.addi %add3A_246, %get3A_230 : vector<16xi32>
    %swap3A_248 = arith.constant 2 : i32
    %swap3A_249 = arith.index_cast %swap3A_248 : i32 to index
    %swap3A_250 = arith.constant 96 : index
    %swap3A_251 = tpu.vector_load %arg7[%swap3A_249, %swap3A_250] {strides = array<i32>} : memref<4x128xi32, #tpu.memory_space<vmem>>, vector<1x16xi32>,
    %swap3A_252 = vector.shape_cast %swap3A_251 : vector<1x16xi32> to vector<16xi32>
    %swap3A_253 = vector.shape_cast %add3A_247 : vector<16xi32> to vector<1x16xi32>
    tpu.vector_store %arg7[%swap3A_249, %swap3A_250], %swap3A_253 {strides = array<i32>} : memref<4x128xi32, #tpu.memory_space<vmem>>, vector<1x16xi32>,
    %get3A_254 = arith.constant 112 : index
    %get3A_255 = tpu.vector_load %arg5[%get3A_254] {strides = array<i32>} : memref<256xi32, #tpu.memory_space<vmem>>, vector<16xi32>,
    %get3A_256 = vector.shape_cast %get3A_255 : vector<16xi32> to vector<16xi32>
    %get3A_257 = arith.constant 112 : index
    %get3A_258 = tpu.vector_load %arg6[%get3A_257] {strides = array<i32>} : memref<256xi32, #tpu.memory_space<vmem>>, vector<16xi32>,
    %get3A_259 = vector.shape_cast %get3A_258 : vector<16xi32> to vector<16xi32>
    %mul3A_260 = arith.constant 512 : i32
    %mul3A_261 = vector.broadcast %mul3A_260 : i32 to vector<16xi32>
    %mul3A_262 = arith.muli %get3A_259, %mul3A_261 : vector<16xi32>
    %add3A_263 = arith.addi %mul3A_262, %get3A_256 : vector<16xi32>
    %swap3A_264 = arith.constant 0 : i32
    %swap3A_265 = arith.index_cast %swap3A_264 : i32 to index
    %swap3A_266 = arith.constant 112 : index
    %swap3A_267 = tpu.vector_load %arg7[%swap3A_265, %swap3A_266] {strides = array<i32>} : memref<4x128xi32, #tpu.memory_space<vmem>>, vector<1x16xi32>,
    %swap3A_268 = vector.shape_cast %swap3A_267 : vector<1x16xi32> to vector<16xi32>
    %swap3A_269 = vector.shape_cast %add3A_263 : vector<16xi32> to vector<1x16xi32>
    tpu.vector_store %arg7[%swap3A_265, %swap3A_266], %swap3A_269 {strides = array<i32>} : memref<4x128xi32, #tpu.memory_space<vmem>>, vector<1x16xi32>,
    %mul3A_270 = arith.constant 512 : i32
    %mul3A_271 = vector.broadcast %mul3A_270 : i32 to vector<16xi32>
    %mul3A_272 = arith.muli %get3A_256, %mul3A_271 : vector<16xi32>
    %add3A_273 = arith.constant 262144 : i32
    %add3A_274 = vector.broadcast %add3A_273 : i32 to vector<16xi32>
    %add3A_275 = arith.addi %add3A_274, %mul3A_272 : vector<16xi32>
    %add3A_276 = arith.addi %add3A_275, %get3A_259 : vector<16xi32>
    %swap3A_277 = arith.constant 2 : i32
    %swap3A_278 = arith.index_cast %swap3A_277 : i32 to index
    %swap3A_279 = arith.constant 112 : index
    %swap3A_280 = tpu.vector_load %arg7[%swap3A_278, %swap3A_279] {strides = array<i32>} : memref<4x128xi32, #tpu.memory_space<vmem>>, vector<1x16xi32>,
    %swap3A_281 = vector.shape_cast %swap3A_280 : vector<1x16xi32> to vector<16xi32>
    %swap3A_282 = vector.shape_cast %add3A_276 : vector<16xi32> to vector<1x16xi32>
    tpu.vector_store %arg7[%swap3A_278, %swap3A_279], %swap3A_282 {strides = array<i32>} : memref<4x128xi32, #tpu.memory_space<vmem>>, vector<1x16xi32>,
    %get3A_283 = arith.constant 128 : index
    %get3A_284 = tpu.vector_load %arg5[%get3A_283] {strides = array<i32>} : memref<256xi32, #tpu.memory_space<vmem>>, vector<16xi32>,
    %get3A_285 = vector.shape_cast %get3A_284 : vector<16xi32> to vector<16xi32>
    %get3A_286 = arith.constant 128 : index
    %get3A_287 = tpu.vector_load %arg6[%get3A_286] {strides = array<i32>} : memref<256xi32, #tpu.memory_space<vmem>>, vector<16xi32>,
    %get3A_288 = vector.shape_cast %get3A_287 : vector<16xi32> to vector<16xi32>
    %mul3A_289 = arith.constant 512 : i32
    %mul3A_290 = vector.broadcast %mul3A_289 : i32 to vector<16xi32>
    %mul3A_291 = arith.muli %get3A_288, %mul3A_290 : vector<16xi32>
    %add3A_292 = arith.addi %mul3A_291, %get3A_285 : vector<16xi32>
    %swap3A_293 = arith.constant 1 : i32
    %swap3A_294 = arith.index_cast %swap3A_293 : i32 to index
    %swap3A_295 = arith.constant 0 : index
    %swap3A_296 = tpu.vector_load %arg7[%swap3A_294, %swap3A_295] {strides = array<i32>} : memref<4x128xi32, #tpu.memory_space<vmem>>, vector<1x16xi32>,
    %swap3A_297 = vector.shape_cast %swap3A_296 : vector<1x16xi32> to vector<16xi32>
    %swap3A_298 = vector.shape_cast %add3A_292 : vector<16xi32> to vector<1x16xi32>
    tpu.vector_store %arg7[%swap3A_294, %swap3A_295], %swap3A_298 {strides = array<i32>} : memref<4x128xi32, #tpu.memory_space<vmem>>, vector<1x16xi32>,
    %mul3A_299 = arith.constant 512 : i32
    %mul3A_300 = vector.broadcast %mul3A_299 : i32 to vector<16xi32>
    %mul3A_301 = arith.muli %get3A_285, %mul3A_300 : vector<16xi32>
    %add3A_302 = arith.constant 262144 : i32
    %add3A_303 = vector.broadcast %add3A_302 : i32 to vector<16xi32>
    %add3A_304 = arith.addi %add3A_303, %mul3A_301 : vector<16xi32>
    %add3A_305 = arith.addi %add3A_304, %get3A_288 : vector<16xi32>
    %swap3A_306 = arith.constant 3 : i32
    %swap3A_307 = arith.index_cast %swap3A_306 : i32 to index
    %swap3A_308 = arith.constant 0 : index
    %swap3A_309 = tpu.vector_load %arg7[%swap3A_307, %swap3A_308] {strides = array<i32>} : memref<4x128xi32, #tpu.memory_space<vmem>>, vector<1x16xi32>,
    %swap3A_310 = vector.shape_cast %swap3A_309 : vector<1x16xi32> to vector<16xi32>
    %swap3A_311 = vector.shape_cast %add3A_305 : vector<16xi32> to vector<1x16xi32>
    tpu.vector_store %arg7[%swap3A_307, %swap3A_308], %swap3A_311 {strides = array<i32>} : memref<4x128xi32, #tpu.memory_space<vmem>>, vector<1x16xi32>,
    %get3A_312 = arith.constant 144 : index
    %get3A_313 = tpu.vector_load %arg5[%get3A_312] {strides = array<i32>} : memref<256xi32, #tpu.memory_space<vmem>>, vector<16xi32>,
    %get3A_314 = vector.shape_cast %get3A_313 : vector<16xi32> to vector<16xi32>
    %get3A_315 = arith.constant 144 : index
    %get3A_316 = tpu.vector_load %arg6[%get3A_315] {strides = array<i32>} : memref<256xi32, #tpu.memory_space<vmem>>, vector<16xi32>,
    %get3A_317 = vector.shape_cast %get3A_316 : vector<16xi32> to vector<16xi32>
    %mul3A_318 = arith.constant 512 : i32
    %mul3A_319 = vector.broadcast %mul3A_318 : i32 to vector<16xi32>
    %mul3A_320 = arith.muli %get3A_317, %mul3A_319 : vector<16xi32>
    %add3A_321 = arith.addi %mul3A_320, %get3A_314 : vector<16xi32>
    %swap3A_322 = arith.constant 1 : i32
    %swap3A_323 = arith.index_cast %swap3A_322 : i32 to index
    %swap3A_324 = arith.constant 16 : index
    %swap3A_325 = tpu.vector_load %arg7[%swap3A_323, %swap3A_324] {strides = array<i32>} : memref<4x128xi32, #tpu.memory_space<vmem>>, vector<1x16xi32>,
    %swap3A_326 = vector.shape_cast %swap3A_325 : vector<1x16xi32> to vector<16xi32>
    %swap3A_327 = vector.shape_cast %add3A_321 : vector<16xi32> to vector<1x16xi32>
    tpu.vector_store %arg7[%swap3A_323, %swap3A_324], %swap3A_327 {strides = array<i32>} : memref<4x128xi32, #tpu.memory_space<vmem>>, vector<1x16xi32>,
    %mul3A_328 = arith.constant 512 : i32
    %mul3A_329 = vector.broadcast %mul3A_328 : i32 to vector<16xi32>
    %mul3A_330 = arith.muli %get3A_314, %mul3A_329 : vector<16xi32>
    %add3A_331 = arith.constant 262144 : i32
    %add3A_332 = vector.broadcast %add3A_331 : i32 to vector<16xi32>
    %add3A_333 = arith.addi %add3A_332, %mul3A_330 : vector<16xi32>
    %add3A_334 = arith.addi %add3A_333, %get3A_317 : vector<16xi32>
    %swap3A_335 = arith.constant 3 : i32
    %swap3A_336 = arith.index_cast %swap3A_335 : i32 to index
    %swap3A_337 = arith.constant 16 : index
    %swap3A_338 = tpu.vector_load %arg7[%swap3A_336, %swap3A_337] {strides = array<i32>} : memref<4x128xi32, #tpu.memory_space<vmem>>, vector<1x16xi32>,
    %swap3A_339 = vector.shape_cast %swap3A_338 : vector<1x16xi32> to vector<16xi32>
    %swap3A_340 = vector.shape_cast %add3A_334 : vector<16xi32> to vector<1x16xi32>
    tpu.vector_store %arg7[%swap3A_336, %swap3A_337], %swap3A_340 {strides = array<i32>} : memref<4x128xi32, #tpu.memory_space<vmem>>, vector<1x16xi32>,
    %get3A_341 = arith.constant 160 : index
    %get3A_342 = tpu.vector_load %arg5[%get3A_341] {strides = array<i32>} : memref<256xi32, #tpu.memory_space<vmem>>, vector<16xi32>,
    %get3A_343 = vector.shape_cast %get3A_342 : vector<16xi32> to vector<16xi32>
    %get3A_344 = arith.constant 160 : index
    %get3A_345 = tpu.vector_load %arg6[%get3A_344] {strides = array<i32>} : memref<256xi32, #tpu.memory_space<vmem>>, vector<16xi32>,
    %get3A_346 = vector.shape_cast %get3A_345 : vector<16xi32> to vector<16xi32>
    %mul3A_347 = arith.constant 512 : i32
    %mul3A_348 = vector.broadcast %mul3A_347 : i32 to vector<16xi32>
    %mul3A_349 = arith.muli %get3A_346, %mul3A_348 : vector<16xi32>
    %add3A_350 = arith.addi %mul3A_349, %get3A_343 : vector<16xi32>
    %swap3A_351 = arith.constant 1 : i32
    %swap3A_352 = arith.index_cast %swap3A_351 : i32 to index
    %swap3A_353 = arith.constant 32 : index
    %swap3A_354 = tpu.vector_load %arg7[%swap3A_352, %swap3A_353] {strides = array<i32>} : memref<4x128xi32, #tpu.memory_space<vmem>>, vector<1x16xi32>,
    %swap3A_355 = vector.shape_cast %swap3A_354 : vector<1x16xi32> to vector<16xi32>
    %swap3A_356 = vector.shape_cast %add3A_350 : vector<16xi32> to vector<1x16xi32>
    tpu.vector_store %arg7[%swap3A_352, %swap3A_353], %swap3A_356 {strides = array<i32>} : memref<4x128xi32, #tpu.memory_space<vmem>>, vector<1x16xi32>,
    %mul3A_357 = arith.constant 512 : i32
    %mul3A_358 = vector.broadcast %mul3A_357 : i32 to vector<16xi32>
    %mul3A_359 = arith.muli %get3A_343, %mul3A_358 : vector<16xi32>
    %add3A_360 = arith.constant 262144 : i32
    %add3A_361 = vector.broadcast %add3A_360 : i32 to vector<16xi32>
    %add3A_362 = arith.addi %add3A_361, %mul3A_359 : vector<16xi32>
    %add3A_363 = arith.addi %add3A_362, %get3A_346 : vector<16xi32>
    %swap3A_364 = arith.constant 3 : i32
    %swap3A_365 = arith.index_cast %swap3A_364 : i32 to index
    %swap3A_366 = arith.constant 32 : index
    %swap3A_367 = tpu.vector_load %arg7[%swap3A_365, %swap3A_366] {strides = array<i32>} : memref<4x128xi32, #tpu.memory_space<vmem>>, vector<1x16xi32>,
    %swap3A_368 = vector.shape_cast %swap3A_367 : vector<1x16xi32> to vector<16xi32>
    %swap3A_369 = vector.shape_cast %add3A_363 : vector<16xi32> to vector<1x16xi32>
    tpu.vector_store %arg7[%swap3A_365, %swap3A_366], %swap3A_369 {strides = array<i32>} : memref<4x128xi32, #tpu.memory_space<vmem>>, vector<1x16xi32>,
    %get3A_370 = arith.constant 176 : index
    %get3A_371 = tpu.vector_load %arg5[%get3A_370] {strides = array<i32>} : memref<256xi32, #tpu.memory_space<vmem>>, vector<16xi32>,
    %get3A_372 = vector.shape_cast %get3A_371 : vector<16xi32> to vector<16xi32>
    %get3A_373 = arith.constant 176 : index
    %get3A_374 = tpu.vector_load %arg6[%get3A_373] {strides = array<i32>} : memref<256xi32, #tpu.memory_space<vmem>>, vector<16xi32>,
    %get3A_375 = vector.shape_cast %get3A_374 : vector<16xi32> to vector<16xi32>
    %mul3A_376 = arith.constant 512 : i32
    %mul3A_377 = vector.broadcast %mul3A_376 : i32 to vector<16xi32>
    %mul3A_378 = arith.muli %get3A_375, %mul3A_377 : vector<16xi32>
    %add3A_379 = arith.addi %mul3A_378, %get3A_372 : vector<16xi32>
    %swap3A_380 = arith.constant 1 : i32
    %swap3A_381 = arith.index_cast %swap3A_380 : i32 to index
    %swap3A_382 = arith.constant 48 : index
    %swap3A_383 = tpu.vector_load %arg7[%swap3A_381, %swap3A_382] {strides = array<i32>} : memref<4x128xi32, #tpu.memory_space<vmem>>, vector<1x16xi32>,
    %swap3A_384 = vector.shape_cast %swap3A_383 : vector<1x16xi32> to vector<16xi32>
    %swap3A_385 = vector.shape_cast %add3A_379 : vector<16xi32> to vector<1x16xi32>
    tpu.vector_store %arg7[%swap3A_381, %swap3A_382], %swap3A_385 {strides = array<i32>} : memref<4x128xi32, #tpu.memory_space<vmem>>, vector<1x16xi32>,
    %mul3A_386 = arith.constant 512 : i32
    %mul3A_387 = vector.broadcast %mul3A_386 : i32 to vector<16xi32>
    %mul3A_388 = arith.muli %get3A_372, %mul3A_387 : vector<16xi32>
    %add3A_389 = arith.constant 262144 : i32
    %add3A_390 = vector.broadcast %add3A_389 : i32 to vector<16xi32>
    %add3A_391 = arith.addi %add3A_390, %mul3A_388 : vector<16xi32>
    %add3A_392 = arith.addi %add3A_391, %get3A_375 : vector<16xi32>
    %swap3A_393 = arith.constant 3 : i32
    %swap3A_394 = arith.index_cast %swap3A_393 : i32 to index
    %swap3A_395 = arith.constant 48 : index
    %swap3A_396 = tpu.vector_load %arg7[%swap3A_394, %swap3A_395] {strides = array<i32>} : memref<4x128xi32, #tpu.memory_space<vmem>>, vector<1x16xi32>,
    %swap3A_397 = vector.shape_cast %swap3A_396 : vector<1x16xi32> to vector<16xi32>
    %swap3A_398 = vector.shape_cast %add3A_392 : vector<16xi32> to vector<1x16xi32>
    tpu.vector_store %arg7[%swap3A_394, %swap3A_395], %swap3A_398 {strides = array<i32>} : memref<4x128xi32, #tpu.memory_space<vmem>>, vector<1x16xi32>,
    %get3A_399 = arith.constant 192 : index
    %get3A_400 = tpu.vector_load %arg5[%get3A_399] {strides = array<i32>} : memref<256xi32, #tpu.memory_space<vmem>>, vector<16xi32>,
    %get3A_401 = vector.shape_cast %get3A_400 : vector<16xi32> to vector<16xi32>
    %get3A_402 = arith.constant 192 : index
    %get3A_403 = tpu.vector_load %arg6[%get3A_402] {strides = array<i32>} : memref<256xi32, #tpu.memory_space<vmem>>, vector<16xi32>,
    %get3A_404 = vector.shape_cast %get3A_403 : vector<16xi32> to vector<16xi32>
    %mul3A_405 = arith.constant 512 : i32
    %mul3A_406 = vector.broadcast %mul3A_405 : i32 to vector<16xi32>
    %mul3A_407 = arith.muli %get3A_404, %mul3A_406 : vector<16xi32>
    %add3A_408 = arith.addi %mul3A_407, %get3A_401 : vector<16xi32>
    %swap3A_409 = arith.constant 1 : i32
    %swap3A_410 = arith.index_cast %swap3A_409 : i32 to index
    %swap3A_411 = arith.constant 64 : index
    %swap3A_412 = tpu.vector_load %arg7[%swap3A_410, %swap3A_411] {strides = array<i32>} : memref<4x128xi32, #tpu.memory_space<vmem>>, vector<1x16xi32>,
    %swap3A_413 = vector.shape_cast %swap3A_412 : vector<1x16xi32> to vector<16xi32>
    %swap3A_414 = vector.shape_cast %add3A_408 : vector<16xi32> to vector<1x16xi32>
    tpu.vector_store %arg7[%swap3A_410, %swap3A_411], %swap3A_414 {strides = array<i32>} : memref<4x128xi32, #tpu.memory_space<vmem>>, vector<1x16xi32>,
    %mul3A_415 = arith.constant 512 : i32
    %mul3A_416 = vector.broadcast %mul3A_415 : i32 to vector<16xi32>
    %mul3A_417 = arith.muli %get3A_401, %mul3A_416 : vector<16xi32>
    %add3A_418 = arith.constant 262144 : i32
    %add3A_419 = vector.broadcast %add3A_418 : i32 to vector<16xi32>
    %add3A_420 = arith.addi %add3A_419, %mul3A_417 : vector<16xi32>
    %add3A_421 = arith.addi %add3A_420, %get3A_404 : vector<16xi32>
    %swap3A_422 = arith.constant 3 : i32
    %swap3A_423 = arith.index_cast %swap3A_422 : i32 to index
    %swap3A_424 = arith.constant 64 : index
    %swap3A_425 = tpu.vector_load %arg7[%swap3A_423, %swap3A_424] {strides = array<i32>} : memref<4x128xi32, #tpu.memory_space<vmem>>, vector<1x16xi32>,
    %swap3A_426 = vector.shape_cast %swap3A_425 : vector<1x16xi32> to vector<16xi32>
    %swap3A_427 = vector.shape_cast %add3A_421 : vector<16xi32> to vector<1x16xi32>
    tpu.vector_store %arg7[%swap3A_423, %swap3A_424], %swap3A_427 {strides = array<i32>} : memref<4x128xi32, #tpu.memory_space<vmem>>, vector<1x16xi32>,
    %get3A_428 = arith.constant 208 : index
    %get3A_429 = tpu.vector_load %arg5[%get3A_428] {strides = array<i32>} : memref<256xi32, #tpu.memory_space<vmem>>, vector<16xi32>,
    %get3A_430 = vector.shape_cast %get3A_429 : vector<16xi32> to vector<16xi32>
    %get3A_431 = arith.constant 208 : index
    %get3A_432 = tpu.vector_load %arg6[%get3A_431] {strides = array<i32>} : memref<256xi32, #tpu.memory_space<vmem>>, vector<16xi32>,
    %get3A_433 = vector.shape_cast %get3A_432 : vector<16xi32> to vector<16xi32>
    %mul3A_434 = arith.constant 512 : i32
    %mul3A_435 = vector.broadcast %mul3A_434 : i32 to vector<16xi32>
    %mul3A_436 = arith.muli %get3A_433, %mul3A_435 : vector<16xi32>
    %add3A_437 = arith.addi %mul3A_436, %get3A_430 : vector<16xi32>
    %swap3A_438 = arith.constant 1 : i32
    %swap3A_439 = arith.index_cast %swap3A_438 : i32 to index
    %swap3A_440 = arith.constant 80 : index
    %swap3A_441 = tpu.vector_load %arg7[%swap3A_439, %swap3A_440] {strides = array<i32>} : memref<4x128xi32, #tpu.memory_space<vmem>>, vector<1x16xi32>,
    %swap3A_442 = vector.shape_cast %swap3A_441 : vector<1x16xi32> to vector<16xi32>
    %swap3A_443 = vector.shape_cast %add3A_437 : vector<16xi32> to vector<1x16xi32>
    tpu.vector_store %arg7[%swap3A_439, %swap3A_440], %swap3A_443 {strides = array<i32>} : memref<4x128xi32, #tpu.memory_space<vmem>>, vector<1x16xi32>,
    %mul3A_444 = arith.constant 512 : i32
    %mul3A_445 = vector.broadcast %mul3A_444 : i32 to vector<16xi32>
    %mul3A_446 = arith.muli %get3A_430, %mul3A_445 : vector<16xi32>
    %add3A_447 = arith.constant 262144 : i32
    %add3A_448 = vector.broadcast %add3A_447 : i32 to vector<16xi32>
    %add3A_449 = arith.addi %add3A_448, %mul3A_446 : vector<16xi32>
    %add3A_450 = arith.addi %add3A_449, %get3A_433 : vector<16xi32>
    %swap3A_451 = arith.constant 3 : i32
    %swap3A_452 = arith.index_cast %swap3A_451 : i32 to index
    %swap3A_453 = arith.constant 80 : index
    %swap3A_454 = tpu.vector_load %arg7[%swap3A_452, %swap3A_453] {strides = array<i32>} : memref<4x128xi32, #tpu.memory_space<vmem>>, vector<1x16xi32>,
    %swap3A_455 = vector.shape_cast %swap3A_454 : vector<1x16xi32> to vector<16xi32>
    %swap3A_456 = vector.shape_cast %add3A_450 : vector<16xi32> to vector<1x16xi32>
    tpu.vector_store %arg7[%swap3A_452, %swap3A_453], %swap3A_456 {strides = array<i32>} : memref<4x128xi32, #tpu.memory_space<vmem>>, vector<1x16xi32>,
    %get3A_457 = arith.constant 224 : index
    %get3A_458 = tpu.vector_load %arg5[%get3A_457] {strides = array<i32>} : memref<256xi32, #tpu.memory_space<vmem>>, vector<16xi32>,
    %get3A_459 = vector.shape_cast %get3A_458 : vector<16xi32> to vector<16xi32>
    %get3A_460 = arith.constant 224 : index
    %get3A_461 = tpu.vector_load %arg6[%get3A_460] {strides = array<i32>} : memref<256xi32, #tpu.memory_space<vmem>>, vector<16xi32>,
    %get3A_462 = vector.shape_cast %get3A_461 : vector<16xi32> to vector<16xi32>
    %mul3A_463 = arith.constant 512 : i32
    %mul3A_464 = vector.broadcast %mul3A_463 : i32 to vector<16xi32>
    %mul3A_465 = arith.muli %get3A_462, %mul3A_464 : vector<16xi32>
    %add3A_466 = arith.addi %mul3A_465, %get3A_459 : vector<16xi32>
    %swap3A_467 = arith.constant 1 : i32
    %swap3A_468 = arith.index_cast %swap3A_467 : i32 to index
    %swap3A_469 = arith.constant 96 : index
    %swap3A_470 = tpu.vector_load %arg7[%swap3A_468, %swap3A_469] {strides = array<i32>} : memref<4x128xi32, #tpu.memory_space<vmem>>, vector<1x16xi32>,
    %swap3A_471 = vector.shape_cast %swap3A_470 : vector<1x16xi32> to vector<16xi32>
    %swap3A_472 = vector.shape_cast %add3A_466 : vector<16xi32> to vector<1x16xi32>
    tpu.vector_store %arg7[%swap3A_468, %swap3A_469], %swap3A_472 {strides = array<i32>} : memref<4x128xi32, #tpu.memory_space<vmem>>, vector<1x16xi32>,
    %mul3A_473 = arith.constant 512 : i32
    %mul3A_474 = vector.broadcast %mul3A_473 : i32 to vector<16xi32>
    %mul3A_475 = arith.muli %get3A_459, %mul3A_474 : vector<16xi32>
    %add3A_476 = arith.constant 262144 : i32
    %add3A_477 = vector.broadcast %add3A_476 : i32 to vector<16xi32>
    %add3A_478 = arith.addi %add3A_477, %mul3A_475 : vector<16xi32>
    %add3A_479 = arith.addi %add3A_478, %get3A_462 : vector<16xi32>
    %swap3A_480 = arith.constant 3 : i32
    %swap3A_481 = arith.index_cast %swap3A_480 : i32 to index
    %swap3A_482 = arith.constant 96 : index
    %swap3A_483 = tpu.vector_load %arg7[%swap3A_481, %swap3A_482] {strides = array<i32>} : memref<4x128xi32, #tpu.memory_space<vmem>>, vector<1x16xi32>,
    %swap3A_484 = vector.shape_cast %swap3A_483 : vector<1x16xi32> to vector<16xi32>
    %swap3A_485 = vector.shape_cast %add3A_479 : vector<16xi32> to vector<1x16xi32>
    tpu.vector_store %arg7[%swap3A_481, %swap3A_482], %swap3A_485 {strides = array<i32>} : memref<4x128xi32, #tpu.memory_space<vmem>>, vector<1x16xi32>,
    %get3A_486 = arith.constant 240 : index
    %get3A_487 = tpu.vector_load %arg5[%get3A_486] {strides = array<i32>} : memref<256xi32, #tpu.memory_space<vmem>>, vector<16xi32>,
    %get3A_488 = vector.shape_cast %get3A_487 : vector<16xi32> to vector<16xi32>
    %get3A_489 = arith.constant 240 : index
    %get3A_490 = tpu.vector_load %arg6[%get3A_489] {strides = array<i32>} : memref<256xi32, #tpu.memory_space<vmem>>, vector<16xi32>,
    %get3A_491 = vector.shape_cast %get3A_490 : vector<16xi32> to vector<16xi32>
    %mul3A_492 = arith.constant 512 : i32
    %mul3A_493 = vector.broadcast %mul3A_492 : i32 to vector<16xi32>
    %mul3A_494 = arith.muli %get3A_491, %mul3A_493 : vector<16xi32>
    %add3A_495 = arith.addi %mul3A_494, %get3A_488 : vector<16xi32>
    %swap3A_496 = arith.constant 1 : i32
    %swap3A_497 = arith.index_cast %swap3A_496 : i32 to index
    %swap3A_498 = arith.constant 112 : index
    %swap3A_499 = tpu.vector_load %arg7[%swap3A_497, %swap3A_498] {strides = array<i32>} : memref<4x128xi32, #tpu.memory_space<vmem>>, vector<1x16xi32>,
    %swap3A_500 = vector.shape_cast %swap3A_499 : vector<1x16xi32> to vector<16xi32>
    %swap3A_501 = vector.shape_cast %add3A_495 : vector<16xi32> to vector<1x16xi32>
    tpu.vector_store %arg7[%swap3A_497, %swap3A_498], %swap3A_501 {strides = array<i32>} : memref<4x128xi32, #tpu.memory_space<vmem>>, vector<1x16xi32>,
    %mul3A_502 = arith.constant 512 : i32
    %mul3A_503 = vector.broadcast %mul3A_502 : i32 to vector<16xi32>
    %mul3A_504 = arith.muli %get3A_488, %mul3A_503 : vector<16xi32>
    %add3A_505 = arith.constant 262144 : i32
    %add3A_506 = vector.broadcast %add3A_505 : i32 to vector<16xi32>
    %add3A_507 = arith.addi %add3A_506, %mul3A_504 : vector<16xi32>
    %add3A_508 = arith.addi %add3A_507, %get3A_491 : vector<16xi32>
    %swap3A_509 = arith.constant 3 : i32
    %swap3A_510 = arith.index_cast %swap3A_509 : i32 to index
    %swap3A_511 = arith.constant 112 : index
    %swap3A_512 = tpu.vector_load %arg7[%swap3A_510, %swap3A_511] {strides = array<i32>} : memref<4x128xi32, #tpu.memory_space<vmem>>, vector<1x16xi32>,
    %swap3A_513 = vector.shape_cast %swap3A_512 : vector<1x16xi32> to vector<16xi32>
    %swap3A_514 = vector.shape_cast %add3A_508 : vector<16xi32> to vector<1x16xi32>
    tpu.vector_store %arg7[%swap3A_510, %swap3A_511], %swap3A_514 {strides = array<i32>} : memref<4x128xi32, #tpu.memory_space<vmem>>, vector<1x16xi32>,
    %barrier3A = arith.constant 0 : index
    tpu.barrier barrier_id(%barrier3A)
    %run_scoped3A_515 = arith.constant 0 : i32
    "tpu.region"() ({
      %run_scoped3A_520 = tpu.sem_alloc : memref<!tpu.dma_semaphore, #tpu.memory_space<semaphore_mem>>
      %dma_start3A = arith.constant 0 : i32
      %dma_start3A_521 = tpu.memref_slice %arg7[%run_scoped3A_515, %dma_start3A] : memref<4x128xi32, #tpu.memory_space<vmem>> -> memref<1x128xi32, #tpu.memory_space<vmem>>
      %dma_start3A_522 = tpu.memref_squeeze %dma_start3A_521 : memref<1x128xi32, #tpu.memory_space<vmem>> -> memref<128xi32, #tpu.memory_space<vmem>>
      %dma_start3A_523 = arith.constant 0 : i32
      %dma_start3A_524 = tpu.memref_slice %arg9[%dma_start3A_523] : memref<524288xf32, #tpu.memory_space<vmem_shared>> -> memref<524288xf32, #tpu.memory_space<vmem_shared>>
      tpu.enqueue_indirect_dma source(%arg8 : memref<128xf32, #tpu.memory_space<vmem>>) target(%dma_start3A_524 : memref<524288xf32, #tpu.memory_space<vmem_shared>>) offsets(%dma_start3A_522 : memref<128xi32, #tpu.memory_space<vmem>>) semaphore(%run_scoped3A_520 : memref<!tpu.dma_semaphore, #tpu.memory_space<semaphore_mem>>) {add = true}
      %dma_wait3A = arith.constant 0 : i32
      %dma_wait3A_525 = tpu.memref_slice %arg7[%run_scoped3A_515, %dma_wait3A] : memref<4x128xi32, #tpu.memory_space<vmem>> -> memref<1x128xi32, #tpu.memory_space<vmem>>
      %dma_wait3A_526 = tpu.memref_squeeze %dma_wait3A_525 : memref<1x128xi32, #tpu.memory_space<vmem>> -> memref<128xi32, #tpu.memory_space<vmem>>
      %dma_wait3A_527 = arith.constant 0 : i32
      %dma_wait3A_528 = tpu.memref_slice %arg9[%dma_wait3A_527] : memref<524288xf32, #tpu.memory_space<vmem_shared>> -> memref<524288xf32, #tpu.memory_space<vmem_shared>>
      tpu.wait_indirect_dma semaphore(%run_scoped3A_520 : memref<!tpu.dma_semaphore, #tpu.memory_space<semaphore_mem>>) src(%arg8 : memref<128xf32, #tpu.memory_space<vmem>>) dst(%dma_wait3A_528 : memref<524288xf32, #tpu.memory_space<vmem_shared>>)
      tpu.yield
    }) : () -> ()
    %run_scoped3A_516 = arith.constant 1 : i32
    "tpu.region"() ({
      %run_scoped3A_520 = tpu.sem_alloc : memref<!tpu.dma_semaphore, #tpu.memory_space<semaphore_mem>>
      %dma_start3A = arith.constant 0 : i32
      %dma_start3A_521 = tpu.memref_slice %arg7[%run_scoped3A_516, %dma_start3A] : memref<4x128xi32, #tpu.memory_space<vmem>> -> memref<1x128xi32, #tpu.memory_space<vmem>>
      %dma_start3A_522 = tpu.memref_squeeze %dma_start3A_521 : memref<1x128xi32, #tpu.memory_space<vmem>> -> memref<128xi32, #tpu.memory_space<vmem>>
      %dma_start3A_523 = arith.constant 0 : i32
      %dma_start3A_524 = tpu.memref_slice %arg9[%dma_start3A_523] : memref<524288xf32, #tpu.memory_space<vmem_shared>> -> memref<524288xf32, #tpu.memory_space<vmem_shared>>
      tpu.enqueue_indirect_dma source(%arg8 : memref<128xf32, #tpu.memory_space<vmem>>) target(%dma_start3A_524 : memref<524288xf32, #tpu.memory_space<vmem_shared>>) offsets(%dma_start3A_522 : memref<128xi32, #tpu.memory_space<vmem>>) semaphore(%run_scoped3A_520 : memref<!tpu.dma_semaphore, #tpu.memory_space<semaphore_mem>>) {add = true}
      %dma_wait3A = arith.constant 0 : i32
      %dma_wait3A_525 = tpu.memref_slice %arg7[%run_scoped3A_516, %dma_wait3A] : memref<4x128xi32, #tpu.memory_space<vmem>> -> memref<1x128xi32, #tpu.memory_space<vmem>>
      %dma_wait3A_526 = tpu.memref_squeeze %dma_wait3A_525 : memref<1x128xi32, #tpu.memory_space<vmem>> -> memref<128xi32, #tpu.memory_space<vmem>>
      %dma_wait3A_527 = arith.constant 0 : i32
      %dma_wait3A_528 = tpu.memref_slice %arg9[%dma_wait3A_527] : memref<524288xf32, #tpu.memory_space<vmem_shared>> -> memref<524288xf32, #tpu.memory_space<vmem_shared>>
      tpu.wait_indirect_dma semaphore(%run_scoped3A_520 : memref<!tpu.dma_semaphore, #tpu.memory_space<semaphore_mem>>) src(%arg8 : memref<128xf32, #tpu.memory_space<vmem>>) dst(%dma_wait3A_528 : memref<524288xf32, #tpu.memory_space<vmem_shared>>)
      tpu.yield
    }) : () -> ()
    %run_scoped3A_517 = arith.constant 2 : i32
    "tpu.region"() ({
      %run_scoped3A_520 = tpu.sem_alloc : memref<!tpu.dma_semaphore, #tpu.memory_space<semaphore_mem>>
      %dma_start3A = arith.constant 0 : i32
      %dma_start3A_521 = tpu.memref_slice %arg7[%run_scoped3A_517, %dma_start3A] : memref<4x128xi32, #tpu.memory_space<vmem>> -> memref<1x128xi32, #tpu.memory_space<vmem>>
      %dma_start3A_522 = tpu.memref_squeeze %dma_start3A_521 : memref<1x128xi32, #tpu.memory_space<vmem>> -> memref<128xi32, #tpu.memory_space<vmem>>
      %dma_start3A_523 = arith.constant 0 : i32
      %dma_start3A_524 = tpu.memref_slice %arg9[%dma_start3A_523] : memref<524288xf32, #tpu.memory_space<vmem_shared>> -> memref<524288xf32, #tpu.memory_space<vmem_shared>>
      tpu.enqueue_indirect_dma source(%arg8 : memref<128xf32, #tpu.memory_space<vmem>>) target(%dma_start3A_524 : memref<524288xf32, #tpu.memory_space<vmem_shared>>) offsets(%dma_start3A_522 : memref<128xi32, #tpu.memory_space<vmem>>) semaphore(%run_scoped3A_520 : memref<!tpu.dma_semaphore, #tpu.memory_space<semaphore_mem>>) {add = true}
      %dma_wait3A = arith.constant 0 : i32
      %dma_wait3A_525 = tpu.memref_slice %arg7[%run_scoped3A_517, %dma_wait3A] : memref<4x128xi32, #tpu.memory_space<vmem>> -> memref<1x128xi32, #tpu.memory_space<vmem>>
      %dma_wait3A_526 = tpu.memref_squeeze %dma_wait3A_525 : memref<1x128xi32, #tpu.memory_space<vmem>> -> memref<128xi32, #tpu.memory_space<vmem>>
      %dma_wait3A_527 = arith.constant 0 : i32
      %dma_wait3A_528 = tpu.memref_slice %arg9[%dma_wait3A_527] : memref<524288xf32, #tpu.memory_space<vmem_shared>> -> memref<524288xf32, #tpu.memory_space<vmem_shared>>
      tpu.wait_indirect_dma semaphore(%run_scoped3A_520 : memref<!tpu.dma_semaphore, #tpu.memory_space<semaphore_mem>>) src(%arg8 : memref<128xf32, #tpu.memory_space<vmem>>) dst(%dma_wait3A_528 : memref<524288xf32, #tpu.memory_space<vmem_shared>>)
      tpu.yield
    }) : () -> ()
    %run_scoped3A_518 = arith.constant 3 : i32
    "tpu.region"() ({
      %run_scoped3A_520 = tpu.sem_alloc : memref<!tpu.dma_semaphore, #tpu.memory_space<semaphore_mem>>
      %dma_start3A = arith.constant 0 : i32
      %dma_start3A_521 = tpu.memref_slice %arg7[%run_scoped3A_518, %dma_start3A] : memref<4x128xi32, #tpu.memory_space<vmem>> -> memref<1x128xi32, #tpu.memory_space<vmem>>
      %dma_start3A_522 = tpu.memref_squeeze %dma_start3A_521 : memref<1x128xi32, #tpu.memory_space<vmem>> -> memref<128xi32, #tpu.memory_space<vmem>>
      %dma_start3A_523 = arith.constant 0 : i32
      %dma_start3A_524 = tpu.memref_slice %arg9[%dma_start3A_523] : memref<524288xf32, #tpu.memory_space<vmem_shared>> -> memref<524288xf32, #tpu.memory_space<vmem_shared>>
      tpu.enqueue_indirect_dma source(%arg8 : memref<128xf32, #tpu.memory_space<vmem>>) target(%dma_start3A_524 : memref<524288xf32, #tpu.memory_space<vmem_shared>>) offsets(%dma_start3A_522 : memref<128xi32, #tpu.memory_space<vmem>>) semaphore(%run_scoped3A_520 : memref<!tpu.dma_semaphore, #tpu.memory_space<semaphore_mem>>) {add = true}
      %dma_wait3A = arith.constant 0 : i32
      %dma_wait3A_525 = tpu.memref_slice %arg7[%run_scoped3A_518, %dma_wait3A] : memref<4x128xi32, #tpu.memory_space<vmem>> -> memref<1x128xi32, #tpu.memory_space<vmem>>
      %dma_wait3A_526 = tpu.memref_squeeze %dma_wait3A_525 : memref<1x128xi32, #tpu.memory_space<vmem>> -> memref<128xi32, #tpu.memory_space<vmem>>
      %dma_wait3A_527 = arith.constant 0 : i32
      %dma_wait3A_528 = tpu.memref_slice %arg9[%dma_wait3A_527] : memref<524288xf32, #tpu.memory_space<vmem_shared>> -> memref<524288xf32, #tpu.memory_space<vmem_shared>>
      tpu.wait_indirect_dma semaphore(%run_scoped3A_520 : memref<!tpu.dma_semaphore, #tpu.memory_space<semaphore_mem>>) src(%arg8 : memref<128xf32, #tpu.memory_space<vmem>>) dst(%dma_wait3A_528 : memref<524288xf32, #tpu.memory_space<vmem_shared>>)
      tpu.yield
    }) : () -> ()
    %barrier3A_519 = arith.constant 0 : index
    tpu.barrier barrier_id(%barrier3A_519)
    "tpu.region"() ({
      %run_scoped3A_520 = tpu.sem_alloc : memref<!tpu.dma_semaphore, #tpu.memory_space<semaphore_mem>>
      %dma_start3A = tpu.memref_slice %arg4[%arg0, %mul3A_2] : memref<2x524288xf32, #tpu.memory_space<hbm>> -> memref<1x32768xf32, #tpu.memory_space<hbm>>
      %dma_start3A_521 = tpu.memref_squeeze %dma_start3A : memref<1x32768xf32, #tpu.memory_space<hbm>> -> memref<32768xf32, #tpu.memory_space<hbm>>
      %dma_start3A_522 = tpu.memref_slice %arg9[%mul3A_2] : memref<524288xf32, #tpu.memory_space<vmem_shared>> -> memref<32768xf32, #tpu.memory_space<vmem_shared>>
      tpu.enqueue_dma source(%dma_start3A_522 : memref<32768xf32, #tpu.memory_space<vmem_shared>>) target(%dma_start3A_521 : memref<32768xf32, #tpu.memory_space<hbm>>) target_semaphore(%run_scoped3A_520 : memref<!tpu.dma_semaphore, #tpu.memory_space<semaphore_mem>>)
      %dma_wait3A = tpu.memref_slice %arg4[%arg0, %mul3A_2] : memref<2x524288xf32, #tpu.memory_space<hbm>> -> memref<1x32768xf32, #tpu.memory_space<hbm>>
      %dma_wait3A_523 = tpu.memref_squeeze %dma_wait3A : memref<1x32768xf32, #tpu.memory_space<hbm>> -> memref<32768xf32, #tpu.memory_space<hbm>>
      %dma_wait3A_524 = tpu.memref_slice %arg9[%mul3A_2] : memref<524288xf32, #tpu.memory_space<vmem_shared>> -> memref<32768xf32, #tpu.memory_space<vmem_shared>>
      tpu.wait_dma2 semaphore(%run_scoped3A_520 : memref<!tpu.dma_semaphore, #tpu.memory_space<semaphore_mem>>) src(%dma_wait3A_524 : memref<32768xf32, #tpu.memory_space<vmem_shared>>) dst(%dma_wait3A_523 : memref<32768xf32, #tpu.memory_space<hbm>>)
      tpu.yield
    }) : () -> ()
    return
  }
}

module attributes {stable_mosaic.version = 14 : i64} {
  func.func @_tc_body(%arg0: i32, %arg1: memref<1x512x256xf32, #tpu.memory_space<vmem>>, %arg2: memref<2x2x512x512xf32, #tpu.memory_space<vmem>>, %arg3: memref<256x256xf32, #tpu.memory_space<vmem>>, %arg4: memref<1x256xf32, #tpu.memory_space<vmem>>, %arg5: memref<256x256xf32, #tpu.memory_space<vmem>>, %arg6: memref<1x256xf32, #tpu.memory_space<vmem>>, %arg7: memref<1x256xf32, #tpu.memory_space<vmem>>, %arg8: memref<1x256xf32, #tpu.memory_space<vmem>>, %arg9: memref<256x256xf32, #tpu.memory_space<vmem>>, %arg10: memref<1x256xf32, #tpu.memory_space<vmem>>, %arg11: memref<256x256xf32, #tpu.memory_space<vmem>>, %arg12: memref<1x256xf32, #tpu.memory_space<vmem>>, %arg13: memref<256x256xf32, #tpu.memory_space<vmem>>, %arg14: memref<1x256xf32, #tpu.memory_space<vmem>>, %arg15: memref<256x256xf32, #tpu.memory_space<vmem>>, %arg16: memref<1x256xf32, #tpu.memory_space<vmem>>, %arg17: memref<1x256xf32, #tpu.memory_space<vmem>>, %arg18: memref<1x256xf32, #tpu.memory_space<vmem>>, %arg19: memref<256x256xf32, #tpu.memory_space<vmem>>, %arg20: memref<1x256xf32, #tpu.memory_space<vmem>>, %arg21: memref<256x256xf32, #tpu.memory_space<vmem>>, %arg22: memref<1x256xf32, #tpu.memory_space<vmem>>, %arg23: memref<256x256xf32, #tpu.memory_space<vmem>>, %arg24: memref<1x256xf32, #tpu.memory_space<vmem>>, %arg25: memref<256x256xf32, #tpu.memory_space<vmem>>, %arg26: memref<1x256xf32, #tpu.memory_space<vmem>>, %arg27: memref<1x256xf32, #tpu.memory_space<vmem>>, %arg28: memref<1x256xf32, #tpu.memory_space<vmem>>, %arg29: memref<512x128xf32, #tpu.memory_space<vmem>>, %arg30: memref<128x1xf32, #tpu.memory_space<vmem>>, %arg31: memref<128x512xf32, #tpu.memory_space<vmem>>, %arg32: memref<512x1xf32, #tpu.memory_space<vmem>>, %arg33: memref<1x512x256xf32, #tpu.memory_space<vmem>>) attributes {dimension_semantics = [#tpu.dimension_semantics<arbitrary>], iteration_bounds = array<i64: 16>, scalar_prefetch = 0 : i64, scratch_operands = 0 : i64, tpu.core_type = #tpu.core_type<tc>, window_params = [{transform_indices = @transform_0, window_bounds = array<i64: 1, 512, 256>}, {pipeline_mode = #tpu.pipeline_mode<synchronous>, transform_indices = @transform_1, window_bounds = array<i64: 2, 2, 512, 512>}, {pipeline_mode = #tpu.pipeline_mode<synchronous>, transform_indices = @transform_2, window_bounds = array<i64: 256, 256>}, {pipeline_mode = #tpu.pipeline_mode<synchronous>, transform_indices = @transform_3, window_bounds = array<i64: 1, 256>}, {pipeline_mode = #tpu.pipeline_mode<synchronous>, transform_indices = @transform_4, window_bounds = array<i64: 256, 256>}, {pipeline_mode = #tpu.pipeline_mode<synchronous>, transform_indices = @transform_5, window_bounds = array<i64: 1, 256>}, {pipeline_mode = #tpu.pipeline_mode<synchronous>, transform_indices = @transform_6, window_bounds = array<i64: 1, 256>}, {pipeline_mode = #tpu.pipeline_mode<synchronous>, transform_indices = @transform_7, window_bounds = array<i64: 1, 256>}, {pipeline_mode = #tpu.pipeline_mode<synchronous>, transform_indices = @transform_8, window_bounds = array<i64: 256, 256>}, {pipeline_mode = #tpu.pipeline_mode<synchronous>, transform_indices = @transform_9, window_bounds = array<i64: 1, 256>}, {pipeline_mode = #tpu.pipeline_mode<synchronous>, transform_indices = @transform_10, window_bounds = array<i64: 256, 256>}, {pipeline_mode = #tpu.pipeline_mode<synchronous>, transform_indices = @transform_11, window_bounds = array<i64: 1, 256>}, {pipeline_mode = #tpu.pipeline_mode<synchronous>, transform_indices = @transform_12, window_bounds = array<i64: 256, 256>}, {pipeline_mode = #tpu.pipeline_mode<synchronous>, transform_indices = @transform_13, window_bounds = array<i64: 1, 256>}, {pipeline_mode = #tpu.pipeline_mode<synchronous>, transform_indices = @transform_14, window_bounds = array<i64: 256, 256>}, {pipeline_mode = #tpu.pipeline_mode<synchronous>, transform_indices = @transform_15, window_bounds = array<i64: 1, 256>}, {pipeline_mode = #tpu.pipeline_mode<synchronous>, transform_indices = @transform_16, window_bounds = array<i64: 1, 256>}, {pipeline_mode = #tpu.pipeline_mode<synchronous>, transform_indices = @transform_17, window_bounds = array<i64: 1, 256>}, {pipeline_mode = #tpu.pipeline_mode<synchronous>, transform_indices = @transform_18, window_bounds = array<i64: 256, 256>}, {pipeline_mode = #tpu.pipeline_mode<synchronous>, transform_indices = @transform_19, window_bounds = array<i64: 1, 256>}, {pipeline_mode = #tpu.pipeline_mode<synchronous>, transform_indices = @transform_20, window_bounds = array<i64: 256, 256>}, {pipeline_mode = #tpu.pipeline_mode<synchronous>, transform_indices = @transform_21, window_bounds = array<i64: 1, 256>}, {pipeline_mode = #tpu.pipeline_mode<synchronous>, transform_indices = @transform_22, window_bounds = array<i64: 256, 256>}, {pipeline_mode = #tpu.pipeline_mode<synchronous>, transform_indices = @transform_23, window_bounds = array<i64: 1, 256>}, {pipeline_mode = #tpu.pipeline_mode<synchronous>, transform_indices = @transform_24, window_bounds = array<i64: 256, 256>}, {pipeline_mode = #tpu.pipeline_mode<synchronous>, transform_indices = @transform_25, window_bounds = array<i64: 1, 256>}, {pipeline_mode = #tpu.pipeline_mode<synchronous>, transform_indices = @transform_26, window_bounds = array<i64: 1, 256>}, {pipeline_mode = #tpu.pipeline_mode<synchronous>, transform_indices = @transform_27, window_bounds = array<i64: 1, 256>}, {pipeline_mode = #tpu.pipeline_mode<synchronous>, transform_indices = @transform_28, window_bounds = array<i64: 512, 128>}, {pipeline_mode = #tpu.pipeline_mode<synchronous>, transform_indices = @transform_29, window_bounds = array<i64: 128, 1>}, {pipeline_mode = #tpu.pipeline_mode<synchronous>, transform_indices = @transform_30, window_bounds = array<i64: 128, 512>}, {pipeline_mode = #tpu.pipeline_mode<synchronous>, transform_indices = @transform_31, window_bounds = array<i64: 512, 1>}, {transform_indices = @transform_32, window_bounds = array<i64: 1, 512, 256>}]} {
    %get3A = arith.constant 0 : index
    %get3A_0 = arith.constant 0 : index
    %get3A_1 = arith.constant 0 : index
    %get3A_2 = vector.load %arg1[%get3A, %get3A_0, %get3A_1] : memref<1x512x256xf32, #tpu.memory_space<vmem>>, vector<1x512x256xf32>
    %get3A_3 = vector.shape_cast %get3A_2 : vector<1x512x256xf32> to vector<512x256xf32>
    %get3A_4 = arith.constant 0 : index
    %get3A_5 = arith.constant 0 : index
    %get3A_6 = arith.constant 0 : index
    %get3A_7 = arith.constant 0 : index
    %get3A_8 = vector.load %arg2[%get3A_4, %get3A_5, %get3A_6, %get3A_7] : memref<2x2x512x512xf32, #tpu.memory_space<vmem>>, vector<1x1x512x512xf32>
    %get3A_9 = vector.shape_cast %get3A_8 : vector<1x1x512x512xf32> to vector<512x512xf32>
    %get3A_10 = arith.constant 1 : index
    %get3A_11 = arith.constant 0 : index
    %get3A_12 = arith.constant 0 : index
    %get3A_13 = arith.constant 0 : index
    %get3A_14 = vector.load %arg2[%get3A_10, %get3A_11, %get3A_12, %get3A_13] : memref<2x2x512x512xf32, #tpu.memory_space<vmem>>, vector<1x1x512x512xf32>
    %get3A_15 = vector.shape_cast %get3A_14 : vector<1x1x512x512xf32> to vector<512x512xf32>
    %add3A = arith.addf %get3A_9, %get3A_15 : vector<512x512xf32>
    %get3A_16 = arith.constant 0 : index
    %get3A_17 = arith.constant 1 : index
    %get3A_18 = arith.constant 0 : index
    %get3A_19 = arith.constant 0 : index
    %get3A_20 = vector.load %arg2[%get3A_16, %get3A_17, %get3A_18, %get3A_19] : memref<2x2x512x512xf32, #tpu.memory_space<vmem>>, vector<1x1x512x512xf32>
    %get3A_21 = vector.shape_cast %get3A_20 : vector<1x1x512x512xf32> to vector<512x512xf32>
    %get3A_22 = arith.constant 1 : index
    %get3A_23 = arith.constant 1 : index
    %get3A_24 = arith.constant 0 : index
    %get3A_25 = arith.constant 0 : index
    %get3A_26 = vector.load %arg2[%get3A_22, %get3A_23, %get3A_24, %get3A_25] : memref<2x2x512x512xf32, #tpu.memory_space<vmem>>, vector<1x1x512x512xf32>
    %get3A_27 = vector.shape_cast %get3A_26 : vector<1x1x512x512xf32> to vector<512x512xf32>
    %add3A_28 = arith.addf %get3A_21, %get3A_27 : vector<512x512xf32>
    %get3A_29 = arith.constant 0 : index
    %get3A_30 = arith.constant 0 : index
    %get3A_31 = vector.load %arg3[%get3A_29, %get3A_30] : memref<256x256xf32, #tpu.memory_space<vmem>>, vector<256x256xf32>
    %dot_general3A = arith.constant dense<0.000000e+00> : vector<512x256xf32>
    %dot_general3A_32 = tpu.matmul %get3A_3, %get3A_31, %dot_general3A {dimension_numbers = #tpu.dot_dimension_numbers<[1], [0], [0], [1], [0, 0, 1, 1], [], []>, transpose_lhs_hint = false} : vector<512x256xf32>, vector<256x256xf32>, vector<512x256xf32> -> vector<512x256xf32>
    %get3A_33 = arith.constant 0 : index
    %get3A_34 = arith.constant 0 : index
    %get3A_35 = vector.load %arg4[%get3A_33, %get3A_34] : memref<1x256xf32, #tpu.memory_space<vmem>>, vector<1x256xf32>
    %add3A_36 = vector.broadcast %get3A_35 : vector<1x256xf32> to vector<512x256xf32>
    %add3A_37 = arith.addf %dot_general3A_32, %add3A_36 : vector<512x256xf32>
    %get3A_38 = arith.constant 0 : index
    %get3A_39 = arith.constant 0 : index
    %get3A_40 = vector.load %arg5[%get3A_38, %get3A_39] : memref<256x256xf32, #tpu.memory_space<vmem>>, vector<256x256xf32>
    %dot_general3A_41 = arith.constant dense<0.000000e+00> : vector<512x256xf32>
    %dot_general3A_42 = tpu.matmul %add3A_37, %get3A_40, %dot_general3A_41 {dimension_numbers = #tpu.dot_dimension_numbers<[1], [0], [0], [1], [0, 0, 1, 1], [], []>, transpose_lhs_hint = false} : vector<512x256xf32>, vector<256x256xf32>, vector<512x256xf32> -> vector<512x256xf32>
    %get3A_43 = arith.constant 0 : index
    %get3A_44 = arith.constant 0 : index
    %get3A_45 = vector.load %arg6[%get3A_43, %get3A_44] : memref<1x256xf32, #tpu.memory_space<vmem>>, vector<1x256xf32>
    %add3A_46 = vector.broadcast %get3A_45 : vector<1x256xf32> to vector<512x256xf32>
    %add3A_47 = arith.addf %dot_general3A_42, %add3A_46 : vector<512x256xf32>
    %dot_general3A_48 = arith.constant dense<0.000000e+00> : vector<512x256xf32>
    %dot_general3A_49 = tpu.matmul %add3A, %add3A_47, %dot_general3A_48 {dimension_numbers = #tpu.dot_dimension_numbers<[1], [0], [0], [1], [0, 0, 1, 1], [], []>, transpose_lhs_hint = false} : vector<512x512xf32>, vector<512x256xf32>, vector<512x256xf32> -> vector<512x256xf32>
    %reduce_sum3A = arith.constant dense<0.000000e+00> : vector<512xf32>
    %reduce_sum3A_50 = vector.multi_reduction <add>, %add3A_28, %reduce_sum3A [1] : vector<512x512xf32> to vector<512xf32>
    %broadcast_in_dim3A = vector.shape_cast %reduce_sum3A_50 : vector<512xf32> to vector<512x1xf32>
    %max3A = arith.constant 1.000000e+00 : f32
    %max3A_51 = vector.broadcast %max3A : f32 to vector<512x1xf32>
    %max3A_52 = arith.maximumf %broadcast_in_dim3A, %max3A_51 : vector<512x1xf32>
    %div3A = vector.broadcast %max3A_52 : vector<512x1xf32> to vector<512x256xf32>
    %div3A_53 = arith.divf %dot_general3A_49, %div3A : vector<512x256xf32>
    %add3A_54 = arith.addf %div3A_53, %add3A_47 : vector<512x256xf32>
    %get3A_55 = arith.constant 0 : index
    %get3A_56 = arith.constant 0 : index
    %get3A_57 = vector.load %arg7[%get3A_55, %get3A_56] : memref<1x256xf32, #tpu.memory_space<vmem>>, vector<1x256xf32>
    %mul3A = arith.constant 0.999994993 : f32
    %mul3A_58 = vector.broadcast %mul3A : f32 to vector<1x256xf32>
    %mul3A_59 = arith.mulf %get3A_57, %mul3A_58 : vector<1x256xf32>
    %mul3A_60 = vector.broadcast %mul3A_59 : vector<1x256xf32> to vector<512x256xf32>
    %mul3A_61 = arith.mulf %add3A_54, %mul3A_60 : vector<512x256xf32>
    %get3A_62 = arith.constant 0 : index
    %get3A_63 = arith.constant 0 : index
    %get3A_64 = vector.load %arg8[%get3A_62, %get3A_63] : memref<1x256xf32, #tpu.memory_space<vmem>>, vector<1x256xf32>
    %add3A_65 = vector.broadcast %get3A_64 : vector<1x256xf32> to vector<512x256xf32>
    %add3A_66 = arith.addf %mul3A_61, %add3A_65 : vector<512x256xf32>
    %max3A_67 = arith.constant 0.000000e+00 : f32
    %max3A_68 = vector.broadcast %max3A_67 : f32 to vector<512x256xf32>
    %max3A_69 = arith.maximumf %add3A_66, %max3A_68 : vector<512x256xf32>
    %iota3A = tpu.iota {dimensions = array<i32: 0>} : vector<512x512xi32>
    %iota3A_70 = tpu.iota {dimensions = array<i32: 1>} : vector<512x512xi32>
    %gt3A = arith.constant 0.000000e+00 : f32
    %gt3A_71 = vector.broadcast %gt3A : f32 to vector<512x512xf32>
    %gt3A_72 = arith.cmpf ogt, %add3A_28, %gt3A_71 : vector<512x512xf32>
    %eq3A = arith.cmpi eq, %iota3A, %iota3A_70 : vector<512x512xi32>
    %or3A = arith.ori %gt3A_72, %eq3A : vector<512x512xi1>
    %jit3A = arith.constant 0.000000e+00 : f32
    %jit3A_73 = arith.constant -1.000000e+30 : f32
    %broadcast_in_dim3A_74 = vector.broadcast %jit3A : f32 to vector<512x512xf32>
    %broadcast_in_dim3A_75 = vector.broadcast %jit3A_73 : f32 to vector<512x512xf32>
    %select_n3A = arith.select %or3A, %broadcast_in_dim3A_74, %broadcast_in_dim3A_75 : vector<512x512xi1>, vector<512x512xf32>
    %get3A_76 = arith.constant 0 : index
    %get3A_77 = arith.constant 0 : index
    %get3A_78 = vector.load %arg9[%get3A_76, %get3A_77] : memref<256x256xf32, #tpu.memory_space<vmem>>, vector<256x256xf32>
    %get3A_79 = arith.constant 0 : index
    %get3A_80 = arith.constant 0 : index
    %get3A_81 = vector.load %arg10[%get3A_79, %get3A_80] : memref<1x256xf32, #tpu.memory_space<vmem>>, vector<1x256xf32>
    %get3A_82 = arith.constant 0 : index
    %get3A_83 = arith.constant 0 : index
    %get3A_84 = vector.load %arg11[%get3A_82, %get3A_83] : memref<256x256xf32, #tpu.memory_space<vmem>>, vector<256x256xf32>
    %get3A_85 = arith.constant 0 : index
    %get3A_86 = arith.constant 0 : index
    %get3A_87 = vector.load %arg12[%get3A_85, %get3A_86] : memref<1x256xf32, #tpu.memory_space<vmem>>, vector<1x256xf32>
    %get3A_88 = arith.constant 0 : index
    %get3A_89 = arith.constant 0 : index
    %get3A_90 = vector.load %arg13[%get3A_88, %get3A_89] : memref<256x256xf32, #tpu.memory_space<vmem>>, vector<256x256xf32>
    %get3A_91 = arith.constant 0 : index
    %get3A_92 = arith.constant 0 : index
    %get3A_93 = vector.load %arg14[%get3A_91, %get3A_92] : memref<1x256xf32, #tpu.memory_space<vmem>>, vector<1x256xf32>
    %get3A_94 = arith.constant 0 : index
    %get3A_95 = arith.constant 0 : index
    %get3A_96 = vector.load %arg15[%get3A_94, %get3A_95] : memref<256x256xf32, #tpu.memory_space<vmem>>, vector<256x256xf32>
    %get3A_97 = arith.constant 0 : index
    %get3A_98 = arith.constant 0 : index
    %get3A_99 = vector.load %arg16[%get3A_97, %get3A_98] : memref<1x256xf32, #tpu.memory_space<vmem>>, vector<1x256xf32>
    %get3A_100 = arith.constant 0 : index
    %get3A_101 = arith.constant 0 : index
    %get3A_102 = vector.load %arg17[%get3A_100, %get3A_101] : memref<1x256xf32, #tpu.memory_space<vmem>>, vector<1x256xf32>
    %get3A_103 = arith.constant 0 : index
    %get3A_104 = arith.constant 0 : index
    %get3A_105 = vector.load %arg18[%get3A_103, %get3A_104] : memref<1x256xf32, #tpu.memory_space<vmem>>, vector<1x256xf32>
    %dot_general3A_106 = arith.constant dense<0.000000e+00> : vector<512x256xf32>
    %dot_general3A_107 = tpu.matmul %max3A_69, %get3A_78, %dot_general3A_106 {dimension_numbers = #tpu.dot_dimension_numbers<[1], [0], [0], [1], [0, 0, 1, 1], [], []>, transpose_lhs_hint = false} : vector<512x256xf32>, vector<256x256xf32>, vector<512x256xf32> -> vector<512x256xf32>
    %add3A_108 = vector.broadcast %get3A_81 : vector<1x256xf32> to vector<512x256xf32>
    %add3A_109 = arith.addf %dot_general3A_107, %add3A_108 : vector<512x256xf32>
    %dot_general3A_110 = arith.constant dense<0.000000e+00> : vector<512x256xf32>
    %dot_general3A_111 = tpu.matmul %max3A_69, %get3A_84, %dot_general3A_110 {dimension_numbers = #tpu.dot_dimension_numbers<[1], [0], [0], [1], [0, 0, 1, 1], [], []>, transpose_lhs_hint = false} : vector<512x256xf32>, vector<256x256xf32>, vector<512x256xf32> -> vector<512x256xf32>
    %add3A_112 = vector.broadcast %get3A_87 : vector<1x256xf32> to vector<512x256xf32>
    %add3A_113 = arith.addf %dot_general3A_111, %add3A_112 : vector<512x256xf32>
    %dot_general3A_114 = arith.constant dense<0.000000e+00> : vector<512x256xf32>
    %dot_general3A_115 = tpu.matmul %max3A_69, %get3A_90, %dot_general3A_114 {dimension_numbers = #tpu.dot_dimension_numbers<[1], [0], [0], [1], [0, 0, 1, 1], [], []>, transpose_lhs_hint = false} : vector<512x256xf32>, vector<256x256xf32>, vector<512x256xf32> -> vector<512x256xf32>
    %add3A_116 = vector.broadcast %get3A_93 : vector<1x256xf32> to vector<512x256xf32>
    %add3A_117 = arith.addf %dot_general3A_115, %add3A_116 : vector<512x256xf32>
    %slice3A = vector.extract_strided_slice %add3A_109 {offsets = [0, 0], sizes = [512, 64], strides = [1, 1]} : vector<512x256xf32> to vector<512x64xf32>
    %slice3A_118 = vector.extract_strided_slice %add3A_113 {offsets = [0, 0], sizes = [512, 64], strides = [1, 1]} : vector<512x256xf32> to vector<512x64xf32>
    %dot_general3A_119 = arith.constant dense<0.000000e+00> : vector<512x512xf32>
    %dot_general3A_120 = tpu.matmul %slice3A, %slice3A_118, %dot_general3A_119 {dimension_numbers = #tpu.dot_dimension_numbers<[1], [1], [0], [0], [0, 0, 1, 0], [], []>, transpose_lhs_hint = false} : vector<512x64xf32>, vector<512x64xf32>, vector<512x512xf32> -> vector<512x512xf32>
    %mul3A_121 = arith.constant 1.250000e-01 : f32
    %mul3A_122 = vector.broadcast %mul3A_121 : f32 to vector<512x512xf32>
    %mul3A_123 = arith.mulf %dot_general3A_120, %mul3A_122 : vector<512x512xf32>
    %add3A_124 = arith.addf %mul3A_123, %select_n3A : vector<512x512xf32>
    %reduce_max3A = arith.constant dense<0xFF800000> : vector<512xf32>
    %reduce_max3A_125 = vector.multi_reduction <maximumf>, %add3A_124, %reduce_max3A [1] : vector<512x512xf32> to vector<512xf32>
    %broadcast_in_dim3A_126 = vector.shape_cast %reduce_max3A_125 : vector<512xf32> to vector<512x1xf32>
    %sub3A = vector.broadcast %broadcast_in_dim3A_126 : vector<512x1xf32> to vector<512x512xf32>
    %sub3A_127 = arith.subf %add3A_124, %sub3A : vector<512x512xf32>
    %exp3A = math.exp %sub3A_127 : vector<512x512xf32>
    %reduce_sum3A_128 = arith.constant dense<0.000000e+00> : vector<512xf32>
    %reduce_sum3A_129 = vector.multi_reduction <add>, %exp3A, %reduce_sum3A_128 [1] : vector<512x512xf32> to vector<512xf32>
    %broadcast_in_dim3A_130 = vector.shape_cast %reduce_sum3A_129 : vector<512xf32> to vector<512x1xf32>
    %div3A_131 = vector.broadcast %broadcast_in_dim3A_130 : vector<512x1xf32> to vector<512x512xf32>
    %div3A_132 = arith.divf %exp3A, %div3A_131 : vector<512x512xf32>
    %slice3A_133 = vector.extract_strided_slice %add3A_117 {offsets = [0, 0], sizes = [512, 64], strides = [1, 1]} : vector<512x256xf32> to vector<512x64xf32>
    %dot_general3A_134 = arith.constant dense<0.000000e+00> : vector<512x64xf32>
    %dot_general3A_135 = tpu.matmul %div3A_132, %slice3A_133, %dot_general3A_134 {dimension_numbers = #tpu.dot_dimension_numbers<[1], [0], [0], [1], [0, 0, 1, 1], [], []>, transpose_lhs_hint = false} : vector<512x512xf32>, vector<512x64xf32>, vector<512x64xf32> -> vector<512x64xf32>
    %slice3A_136 = vector.extract_strided_slice %add3A_109 {offsets = [0, 64], sizes = [512, 64], strides = [1, 1]} : vector<512x256xf32> to vector<512x64xf32>
    %slice3A_137 = vector.extract_strided_slice %add3A_113 {offsets = [0, 64], sizes = [512, 64], strides = [1, 1]} : vector<512x256xf32> to vector<512x64xf32>
    %dot_general3A_138 = arith.constant dense<0.000000e+00> : vector<512x512xf32>
    %dot_general3A_139 = tpu.matmul %slice3A_136, %slice3A_137, %dot_general3A_138 {dimension_numbers = #tpu.dot_dimension_numbers<[1], [1], [0], [0], [0, 0, 1, 0], [], []>, transpose_lhs_hint = false} : vector<512x64xf32>, vector<512x64xf32>, vector<512x512xf32> -> vector<512x512xf32>
    %mul3A_140 = arith.constant 1.250000e-01 : f32
    %mul3A_141 = vector.broadcast %mul3A_140 : f32 to vector<512x512xf32>
    %mul3A_142 = arith.mulf %dot_general3A_139, %mul3A_141 : vector<512x512xf32>
    %add3A_143 = arith.addf %mul3A_142, %select_n3A : vector<512x512xf32>
    %reduce_max3A_144 = arith.constant dense<0xFF800000> : vector<512xf32>
    %reduce_max3A_145 = vector.multi_reduction <maximumf>, %add3A_143, %reduce_max3A_144 [1] : vector<512x512xf32> to vector<512xf32>
    %broadcast_in_dim3A_146 = vector.shape_cast %reduce_max3A_145 : vector<512xf32> to vector<512x1xf32>
    %sub3A_147 = vector.broadcast %broadcast_in_dim3A_146 : vector<512x1xf32> to vector<512x512xf32>
    %sub3A_148 = arith.subf %add3A_143, %sub3A_147 : vector<512x512xf32>
    %exp3A_149 = math.exp %sub3A_148 : vector<512x512xf32>
    %reduce_sum3A_150 = arith.constant dense<0.000000e+00> : vector<512xf32>
    %reduce_sum3A_151 = vector.multi_reduction <add>, %exp3A_149, %reduce_sum3A_150 [1] : vector<512x512xf32> to vector<512xf32>
    %broadcast_in_dim3A_152 = vector.shape_cast %reduce_sum3A_151 : vector<512xf32> to vector<512x1xf32>
    %div3A_153 = vector.broadcast %broadcast_in_dim3A_152 : vector<512x1xf32> to vector<512x512xf32>
    %div3A_154 = arith.divf %exp3A_149, %div3A_153 : vector<512x512xf32>
    %slice3A_155 = vector.extract_strided_slice %add3A_117 {offsets = [0, 64], sizes = [512, 64], strides = [1, 1]} : vector<512x256xf32> to vector<512x64xf32>
    %dot_general3A_156 = arith.constant dense<0.000000e+00> : vector<512x64xf32>
    %dot_general3A_157 = tpu.matmul %div3A_154, %slice3A_155, %dot_general3A_156 {dimension_numbers = #tpu.dot_dimension_numbers<[1], [0], [0], [1], [0, 0, 1, 1], [], []>, transpose_lhs_hint = false} : vector<512x512xf32>, vector<512x64xf32>, vector<512x64xf32> -> vector<512x64xf32>
    %slice3A_158 = vector.extract_strided_slice %add3A_109 {offsets = [0, 128], sizes = [512, 64], strides = [1, 1]} : vector<512x256xf32> to vector<512x64xf32>
    %slice3A_159 = vector.extract_strided_slice %add3A_113 {offsets = [0, 128], sizes = [512, 64], strides = [1, 1]} : vector<512x256xf32> to vector<512x64xf32>
    %dot_general3A_160 = arith.constant dense<0.000000e+00> : vector<512x512xf32>
    %dot_general3A_161 = tpu.matmul %slice3A_158, %slice3A_159, %dot_general3A_160 {dimension_numbers = #tpu.dot_dimension_numbers<[1], [1], [0], [0], [0, 0, 1, 0], [], []>, transpose_lhs_hint = false} : vector<512x64xf32>, vector<512x64xf32>, vector<512x512xf32> -> vector<512x512xf32>
    %mul3A_162 = arith.constant 1.250000e-01 : f32
    %mul3A_163 = vector.broadcast %mul3A_162 : f32 to vector<512x512xf32>
    %mul3A_164 = arith.mulf %dot_general3A_161, %mul3A_163 : vector<512x512xf32>
    %add3A_165 = arith.addf %mul3A_164, %select_n3A : vector<512x512xf32>
    %reduce_max3A_166 = arith.constant dense<0xFF800000> : vector<512xf32>
    %reduce_max3A_167 = vector.multi_reduction <maximumf>, %add3A_165, %reduce_max3A_166 [1] : vector<512x512xf32> to vector<512xf32>
    %broadcast_in_dim3A_168 = vector.shape_cast %reduce_max3A_167 : vector<512xf32> to vector<512x1xf32>
    %sub3A_169 = vector.broadcast %broadcast_in_dim3A_168 : vector<512x1xf32> to vector<512x512xf32>
    %sub3A_170 = arith.subf %add3A_165, %sub3A_169 : vector<512x512xf32>
    %exp3A_171 = math.exp %sub3A_170 : vector<512x512xf32>
    %reduce_sum3A_172 = arith.constant dense<0.000000e+00> : vector<512xf32>
    %reduce_sum3A_173 = vector.multi_reduction <add>, %exp3A_171, %reduce_sum3A_172 [1] : vector<512x512xf32> to vector<512xf32>
    %broadcast_in_dim3A_174 = vector.shape_cast %reduce_sum3A_173 : vector<512xf32> to vector<512x1xf32>
    %div3A_175 = vector.broadcast %broadcast_in_dim3A_174 : vector<512x1xf32> to vector<512x512xf32>
    %div3A_176 = arith.divf %exp3A_171, %div3A_175 : vector<512x512xf32>
    %slice3A_177 = vector.extract_strided_slice %add3A_117 {offsets = [0, 128], sizes = [512, 64], strides = [1, 1]} : vector<512x256xf32> to vector<512x64xf32>
    %dot_general3A_178 = arith.constant dense<0.000000e+00> : vector<512x64xf32>
    %dot_general3A_179 = tpu.matmul %div3A_176, %slice3A_177, %dot_general3A_178 {dimension_numbers = #tpu.dot_dimension_numbers<[1], [0], [0], [1], [0, 0, 1, 1], [], []>, transpose_lhs_hint = false} : vector<512x512xf32>, vector<512x64xf32>, vector<512x64xf32> -> vector<512x64xf32>
    %slice3A_180 = vector.extract_strided_slice %add3A_109 {offsets = [0, 192], sizes = [512, 64], strides = [1, 1]} : vector<512x256xf32> to vector<512x64xf32>
    %slice3A_181 = vector.extract_strided_slice %add3A_113 {offsets = [0, 192], sizes = [512, 64], strides = [1, 1]} : vector<512x256xf32> to vector<512x64xf32>
    %dot_general3A_182 = arith.constant dense<0.000000e+00> : vector<512x512xf32>
    %dot_general3A_183 = tpu.matmul %slice3A_180, %slice3A_181, %dot_general3A_182 {dimension_numbers = #tpu.dot_dimension_numbers<[1], [1], [0], [0], [0, 0, 1, 0], [], []>, transpose_lhs_hint = false} : vector<512x64xf32>, vector<512x64xf32>, vector<512x512xf32> -> vector<512x512xf32>
    %mul3A_184 = arith.constant 1.250000e-01 : f32
    %mul3A_185 = vector.broadcast %mul3A_184 : f32 to vector<512x512xf32>
    %mul3A_186 = arith.mulf %dot_general3A_183, %mul3A_185 : vector<512x512xf32>
    %add3A_187 = arith.addf %mul3A_186, %select_n3A : vector<512x512xf32>
    %reduce_max3A_188 = arith.constant dense<0xFF800000> : vector<512xf32>
    %reduce_max3A_189 = vector.multi_reduction <maximumf>, %add3A_187, %reduce_max3A_188 [1] : vector<512x512xf32> to vector<512xf32>
    %broadcast_in_dim3A_190 = vector.shape_cast %reduce_max3A_189 : vector<512xf32> to vector<512x1xf32>
    %sub3A_191 = vector.broadcast %broadcast_in_dim3A_190 : vector<512x1xf32> to vector<512x512xf32>
    %sub3A_192 = arith.subf %add3A_187, %sub3A_191 : vector<512x512xf32>
    %exp3A_193 = math.exp %sub3A_192 : vector<512x512xf32>
    %reduce_sum3A_194 = arith.constant dense<0.000000e+00> : vector<512xf32>
    %reduce_sum3A_195 = vector.multi_reduction <add>, %exp3A_193, %reduce_sum3A_194 [1] : vector<512x512xf32> to vector<512xf32>
    %broadcast_in_dim3A_196 = vector.shape_cast %reduce_sum3A_195 : vector<512xf32> to vector<512x1xf32>
    %div3A_197 = vector.broadcast %broadcast_in_dim3A_196 : vector<512x1xf32> to vector<512x512xf32>
    %div3A_198 = arith.divf %exp3A_193, %div3A_197 : vector<512x512xf32>
    %slice3A_199 = vector.extract_strided_slice %add3A_117 {offsets = [0, 192], sizes = [512, 64], strides = [1, 1]} : vector<512x256xf32> to vector<512x64xf32>
    %dot_general3A_200 = arith.constant dense<0.000000e+00> : vector<512x64xf32>
    %dot_general3A_201 = tpu.matmul %div3A_198, %slice3A_199, %dot_general3A_200 {dimension_numbers = #tpu.dot_dimension_numbers<[1], [0], [0], [1], [0, 0, 1, 1], [], []>, transpose_lhs_hint = false} : vector<512x512xf32>, vector<512x64xf32>, vector<512x64xf32> -> vector<512x64xf32>
    %concatenate3A = tpu.concatenate %dot_general3A_135, %dot_general3A_157, %dot_general3A_179, %dot_general3A_201 in 1 : vector<512x64xf32>, vector<512x64xf32>, vector<512x64xf32>, vector<512x64xf32> -> vector<512x256xf32>
    %dot_general3A_202 = arith.constant dense<0.000000e+00> : vector<512x256xf32>
    %dot_general3A_203 = tpu.matmul %concatenate3A, %get3A_96, %dot_general3A_202 {dimension_numbers = #tpu.dot_dimension_numbers<[1], [0], [0], [1], [0, 0, 1, 1], [], []>, transpose_lhs_hint = false} : vector<512x256xf32>, vector<256x256xf32>, vector<512x256xf32> -> vector<512x256xf32>
    %add3A_204 = vector.broadcast %get3A_99 : vector<1x256xf32> to vector<512x256xf32>
    %add3A_205 = arith.addf %dot_general3A_203, %add3A_204 : vector<512x256xf32>
    %add3A_206 = arith.addf %add3A_205, %max3A_69 : vector<512x256xf32>
    %reduce_sum3A_207 = arith.constant dense<0.000000e+00> : vector<512xf32>
    %reduce_sum3A_208 = vector.multi_reduction <add>, %add3A_206, %reduce_sum3A_207 [1] : vector<512x256xf32> to vector<512xf32>
    %broadcast_in_dim3A_209 = vector.shape_cast %reduce_sum3A_208 : vector<512xf32> to vector<512x1xf32>
    %div3A_210 = arith.constant 2.560000e+02 : f32
    %div3A_211 = vector.broadcast %div3A_210 : f32 to vector<512x1xf32>
    %div3A_212 = arith.divf %broadcast_in_dim3A_209, %div3A_211 : vector<512x1xf32>
    %sub3A_213 = vector.broadcast %div3A_212 : vector<512x1xf32> to vector<512x256xf32>
    %sub3A_214 = arith.subf %add3A_206, %sub3A_213 : vector<512x256xf32>
    %integer_pow3A = arith.mulf %sub3A_214, %sub3A_214 : vector<512x256xf32>
    %reduce_sum3A_215 = arith.constant dense<0.000000e+00> : vector<512xf32>
    %reduce_sum3A_216 = vector.multi_reduction <add>, %integer_pow3A, %reduce_sum3A_215 [1] : vector<512x256xf32> to vector<512xf32>
    %broadcast_in_dim3A_217 = vector.shape_cast %reduce_sum3A_216 : vector<512xf32> to vector<512x1xf32>
    %div3A_218 = arith.constant 2.560000e+02 : f32
    %div3A_219 = vector.broadcast %div3A_218 : f32 to vector<512x1xf32>
    %div3A_220 = arith.divf %broadcast_in_dim3A_217, %div3A_219 : vector<512x1xf32>
    %sub3A_221 = vector.broadcast %div3A_212 : vector<512x1xf32> to vector<512x256xf32>
    %sub3A_222 = arith.subf %add3A_206, %sub3A_221 : vector<512x256xf32>
    %add3A_223 = arith.constant 9.99999974E-6 : f32
    %add3A_224 = vector.broadcast %add3A_223 : f32 to vector<512x1xf32>
    %add3A_225 = arith.addf %div3A_220, %add3A_224 : vector<512x1xf32>
    %rsqrt3A = math.rsqrt %add3A_225 : vector<512x1xf32>
    %mul3A_226 = vector.broadcast %rsqrt3A : vector<512x1xf32> to vector<512x256xf32>
    %mul3A_227 = arith.mulf %sub3A_222, %mul3A_226 : vector<512x256xf32>
    %mul3A_228 = vector.broadcast %get3A_102 : vector<1x256xf32> to vector<512x256xf32>
    %mul3A_229 = arith.mulf %mul3A_227, %mul3A_228 : vector<512x256xf32>
    %add3A_230 = vector.broadcast %get3A_105 : vector<1x256xf32> to vector<512x256xf32>
    %add3A_231 = arith.addf %mul3A_229, %add3A_230 : vector<512x256xf32>
    %get3A_232 = arith.constant 0 : index
    %get3A_233 = arith.constant 0 : index
    %get3A_234 = vector.load %arg19[%get3A_232, %get3A_233] : memref<256x256xf32, #tpu.memory_space<vmem>>, vector<256x256xf32>
    %get3A_235 = arith.constant 0 : index
    %get3A_236 = arith.constant 0 : index
    %get3A_237 = vector.load %arg20[%get3A_235, %get3A_236] : memref<1x256xf32, #tpu.memory_space<vmem>>, vector<1x256xf32>
    %get3A_238 = arith.constant 0 : index
    %get3A_239 = arith.constant 0 : index
    %get3A_240 = vector.load %arg21[%get3A_238, %get3A_239] : memref<256x256xf32, #tpu.memory_space<vmem>>, vector<256x256xf32>
    %get3A_241 = arith.constant 0 : index
    %get3A_242 = arith.constant 0 : index
    %get3A_243 = vector.load %arg22[%get3A_241, %get3A_242] : memref<1x256xf32, #tpu.memory_space<vmem>>, vector<1x256xf32>
    %get3A_244 = arith.constant 0 : index
    %get3A_245 = arith.constant 0 : index
    %get3A_246 = vector.load %arg23[%get3A_244, %get3A_245] : memref<256x256xf32, #tpu.memory_space<vmem>>, vector<256x256xf32>
    %get3A_247 = arith.constant 0 : index
    %get3A_248 = arith.constant 0 : index
    %get3A_249 = vector.load %arg24[%get3A_247, %get3A_248] : memref<1x256xf32, #tpu.memory_space<vmem>>, vector<1x256xf32>
    %get3A_250 = arith.constant 0 : index
    %get3A_251 = arith.constant 0 : index
    %get3A_252 = vector.load %arg25[%get3A_250, %get3A_251] : memref<256x256xf32, #tpu.memory_space<vmem>>, vector<256x256xf32>
    %get3A_253 = arith.constant 0 : index
    %get3A_254 = arith.constant 0 : index
    %get3A_255 = vector.load %arg26[%get3A_253, %get3A_254] : memref<1x256xf32, #tpu.memory_space<vmem>>, vector<1x256xf32>
    %get3A_256 = arith.constant 0 : index
    %get3A_257 = arith.constant 0 : index
    %get3A_258 = vector.load %arg27[%get3A_256, %get3A_257] : memref<1x256xf32, #tpu.memory_space<vmem>>, vector<1x256xf32>
    %get3A_259 = arith.constant 0 : index
    %get3A_260 = arith.constant 0 : index
    %get3A_261 = vector.load %arg28[%get3A_259, %get3A_260] : memref<1x256xf32, #tpu.memory_space<vmem>>, vector<1x256xf32>
    %dot_general3A_262 = arith.constant dense<0.000000e+00> : vector<512x256xf32>
    %dot_general3A_263 = tpu.matmul %add3A_231, %get3A_234, %dot_general3A_262 {dimension_numbers = #tpu.dot_dimension_numbers<[1], [0], [0], [1], [0, 0, 1, 1], [], []>, transpose_lhs_hint = false} : vector<512x256xf32>, vector<256x256xf32>, vector<512x256xf32> -> vector<512x256xf32>
    %add3A_264 = vector.broadcast %get3A_237 : vector<1x256xf32> to vector<512x256xf32>
    %add3A_265 = arith.addf %dot_general3A_263, %add3A_264 : vector<512x256xf32>
    %dot_general3A_266 = arith.constant dense<0.000000e+00> : vector<512x256xf32>
    %dot_general3A_267 = tpu.matmul %add3A_231, %get3A_240, %dot_general3A_266 {dimension_numbers = #tpu.dot_dimension_numbers<[1], [0], [0], [1], [0, 0, 1, 1], [], []>, transpose_lhs_hint = false} : vector<512x256xf32>, vector<256x256xf32>, vector<512x256xf32> -> vector<512x256xf32>
    %add3A_268 = vector.broadcast %get3A_243 : vector<1x256xf32> to vector<512x256xf32>
    %add3A_269 = arith.addf %dot_general3A_267, %add3A_268 : vector<512x256xf32>
    %dot_general3A_270 = arith.constant dense<0.000000e+00> : vector<512x256xf32>
    %dot_general3A_271 = tpu.matmul %add3A_231, %get3A_246, %dot_general3A_270 {dimension_numbers = #tpu.dot_dimension_numbers<[1], [0], [0], [1], [0, 0, 1, 1], [], []>, transpose_lhs_hint = false} : vector<512x256xf32>, vector<256x256xf32>, vector<512x256xf32> -> vector<512x256xf32>
    %add3A_272 = vector.broadcast %get3A_249 : vector<1x256xf32> to vector<512x256xf32>
    %add3A_273 = arith.addf %dot_general3A_271, %add3A_272 : vector<512x256xf32>
    %slice3A_274 = vector.extract_strided_slice %add3A_265 {offsets = [0, 0], sizes = [512, 64], strides = [1, 1]} : vector<512x256xf32> to vector<512x64xf32>
    %slice3A_275 = vector.extract_strided_slice %add3A_269 {offsets = [0, 0], sizes = [512, 64], strides = [1, 1]} : vector<512x256xf32> to vector<512x64xf32>
    %dot_general3A_276 = arith.constant dense<0.000000e+00> : vector<512x512xf32>
    %dot_general3A_277 = tpu.matmul %slice3A_274, %slice3A_275, %dot_general3A_276 {dimension_numbers = #tpu.dot_dimension_numbers<[1], [1], [0], [0], [0, 0, 1, 0], [], []>, transpose_lhs_hint = false} : vector<512x64xf32>, vector<512x64xf32>, vector<512x512xf32> -> vector<512x512xf32>
    %mul3A_278 = arith.constant 1.250000e-01 : f32
    %mul3A_279 = vector.broadcast %mul3A_278 : f32 to vector<512x512xf32>
    %mul3A_280 = arith.mulf %dot_general3A_277, %mul3A_279 : vector<512x512xf32>
    %add3A_281 = arith.addf %mul3A_280, %select_n3A : vector<512x512xf32>
    %reduce_max3A_282 = arith.constant dense<0xFF800000> : vector<512xf32>
    %reduce_max3A_283 = vector.multi_reduction <maximumf>, %add3A_281, %reduce_max3A_282 [1] : vector<512x512xf32> to vector<512xf32>
    %broadcast_in_dim3A_284 = vector.shape_cast %reduce_max3A_283 : vector<512xf32> to vector<512x1xf32>
    %sub3A_285 = vector.broadcast %broadcast_in_dim3A_284 : vector<512x1xf32> to vector<512x512xf32>
    %sub3A_286 = arith.subf %add3A_281, %sub3A_285 : vector<512x512xf32>
    %exp3A_287 = math.exp %sub3A_286 : vector<512x512xf32>
    %reduce_sum3A_288 = arith.constant dense<0.000000e+00> : vector<512xf32>
    %reduce_sum3A_289 = vector.multi_reduction <add>, %exp3A_287, %reduce_sum3A_288 [1] : vector<512x512xf32> to vector<512xf32>
    %broadcast_in_dim3A_290 = vector.shape_cast %reduce_sum3A_289 : vector<512xf32> to vector<512x1xf32>
    %div3A_291 = vector.broadcast %broadcast_in_dim3A_290 : vector<512x1xf32> to vector<512x512xf32>
    %div3A_292 = arith.divf %exp3A_287, %div3A_291 : vector<512x512xf32>
    %slice3A_293 = vector.extract_strided_slice %add3A_273 {offsets = [0, 0], sizes = [512, 64], strides = [1, 1]} : vector<512x256xf32> to vector<512x64xf32>
    %dot_general3A_294 = arith.constant dense<0.000000e+00> : vector<512x64xf32>
    %dot_general3A_295 = tpu.matmul %div3A_292, %slice3A_293, %dot_general3A_294 {dimension_numbers = #tpu.dot_dimension_numbers<[1], [0], [0], [1], [0, 0, 1, 1], [], []>, transpose_lhs_hint = false} : vector<512x512xf32>, vector<512x64xf32>, vector<512x64xf32> -> vector<512x64xf32>
    %slice3A_296 = vector.extract_strided_slice %add3A_265 {offsets = [0, 64], sizes = [512, 64], strides = [1, 1]} : vector<512x256xf32> to vector<512x64xf32>
    %slice3A_297 = vector.extract_strided_slice %add3A_269 {offsets = [0, 64], sizes = [512, 64], strides = [1, 1]} : vector<512x256xf32> to vector<512x64xf32>
    %dot_general3A_298 = arith.constant dense<0.000000e+00> : vector<512x512xf32>
    %dot_general3A_299 = tpu.matmul %slice3A_296, %slice3A_297, %dot_general3A_298 {dimension_numbers = #tpu.dot_dimension_numbers<[1], [1], [0], [0], [0, 0, 1, 0], [], []>, transpose_lhs_hint = false} : vector<512x64xf32>, vector<512x64xf32>, vector<512x512xf32> -> vector<512x512xf32>
    %mul3A_300 = arith.constant 1.250000e-01 : f32
    %mul3A_301 = vector.broadcast %mul3A_300 : f32 to vector<512x512xf32>
    %mul3A_302 = arith.mulf %dot_general3A_299, %mul3A_301 : vector<512x512xf32>
    %add3A_303 = arith.addf %mul3A_302, %select_n3A : vector<512x512xf32>
    %reduce_max3A_304 = arith.constant dense<0xFF800000> : vector<512xf32>
    %reduce_max3A_305 = vector.multi_reduction <maximumf>, %add3A_303, %reduce_max3A_304 [1] : vector<512x512xf32> to vector<512xf32>
    %broadcast_in_dim3A_306 = vector.shape_cast %reduce_max3A_305 : vector<512xf32> to vector<512x1xf32>
    %sub3A_307 = vector.broadcast %broadcast_in_dim3A_306 : vector<512x1xf32> to vector<512x512xf32>
    %sub3A_308 = arith.subf %add3A_303, %sub3A_307 : vector<512x512xf32>
    %exp3A_309 = math.exp %sub3A_308 : vector<512x512xf32>
    %reduce_sum3A_310 = arith.constant dense<0.000000e+00> : vector<512xf32>
    %reduce_sum3A_311 = vector.multi_reduction <add>, %exp3A_309, %reduce_sum3A_310 [1] : vector<512x512xf32> to vector<512xf32>
    %broadcast_in_dim3A_312 = vector.shape_cast %reduce_sum3A_311 : vector<512xf32> to vector<512x1xf32>
    %div3A_313 = vector.broadcast %broadcast_in_dim3A_312 : vector<512x1xf32> to vector<512x512xf32>
    %div3A_314 = arith.divf %exp3A_309, %div3A_313 : vector<512x512xf32>
    %slice3A_315 = vector.extract_strided_slice %add3A_273 {offsets = [0, 64], sizes = [512, 64], strides = [1, 1]} : vector<512x256xf32> to vector<512x64xf32>
    %dot_general3A_316 = arith.constant dense<0.000000e+00> : vector<512x64xf32>
    %dot_general3A_317 = tpu.matmul %div3A_314, %slice3A_315, %dot_general3A_316 {dimension_numbers = #tpu.dot_dimension_numbers<[1], [0], [0], [1], [0, 0, 1, 1], [], []>, transpose_lhs_hint = false} : vector<512x512xf32>, vector<512x64xf32>, vector<512x64xf32> -> vector<512x64xf32>
    %slice3A_318 = vector.extract_strided_slice %add3A_265 {offsets = [0, 128], sizes = [512, 64], strides = [1, 1]} : vector<512x256xf32> to vector<512x64xf32>
    %slice3A_319 = vector.extract_strided_slice %add3A_269 {offsets = [0, 128], sizes = [512, 64], strides = [1, 1]} : vector<512x256xf32> to vector<512x64xf32>
    %dot_general3A_320 = arith.constant dense<0.000000e+00> : vector<512x512xf32>
    %dot_general3A_321 = tpu.matmul %slice3A_318, %slice3A_319, %dot_general3A_320 {dimension_numbers = #tpu.dot_dimension_numbers<[1], [1], [0], [0], [0, 0, 1, 0], [], []>, transpose_lhs_hint = false} : vector<512x64xf32>, vector<512x64xf32>, vector<512x512xf32> -> vector<512x512xf32>
    %mul3A_322 = arith.constant 1.250000e-01 : f32
    %mul3A_323 = vector.broadcast %mul3A_322 : f32 to vector<512x512xf32>
    %mul3A_324 = arith.mulf %dot_general3A_321, %mul3A_323 : vector<512x512xf32>
    %add3A_325 = arith.addf %mul3A_324, %select_n3A : vector<512x512xf32>
    %reduce_max3A_326 = arith.constant dense<0xFF800000> : vector<512xf32>
    %reduce_max3A_327 = vector.multi_reduction <maximumf>, %add3A_325, %reduce_max3A_326 [1] : vector<512x512xf32> to vector<512xf32>
    %broadcast_in_dim3A_328 = vector.shape_cast %reduce_max3A_327 : vector<512xf32> to vector<512x1xf32>
    %sub3A_329 = vector.broadcast %broadcast_in_dim3A_328 : vector<512x1xf32> to vector<512x512xf32>
    %sub3A_330 = arith.subf %add3A_325, %sub3A_329 : vector<512x512xf32>
    %exp3A_331 = math.exp %sub3A_330 : vector<512x512xf32>
    %reduce_sum3A_332 = arith.constant dense<0.000000e+00> : vector<512xf32>
    %reduce_sum3A_333 = vector.multi_reduction <add>, %exp3A_331, %reduce_sum3A_332 [1] : vector<512x512xf32> to vector<512xf32>
    %broadcast_in_dim3A_334 = vector.shape_cast %reduce_sum3A_333 : vector<512xf32> to vector<512x1xf32>
    %div3A_335 = vector.broadcast %broadcast_in_dim3A_334 : vector<512x1xf32> to vector<512x512xf32>
    %div3A_336 = arith.divf %exp3A_331, %div3A_335 : vector<512x512xf32>
    %slice3A_337 = vector.extract_strided_slice %add3A_273 {offsets = [0, 128], sizes = [512, 64], strides = [1, 1]} : vector<512x256xf32> to vector<512x64xf32>
    %dot_general3A_338 = arith.constant dense<0.000000e+00> : vector<512x64xf32>
    %dot_general3A_339 = tpu.matmul %div3A_336, %slice3A_337, %dot_general3A_338 {dimension_numbers = #tpu.dot_dimension_numbers<[1], [0], [0], [1], [0, 0, 1, 1], [], []>, transpose_lhs_hint = false} : vector<512x512xf32>, vector<512x64xf32>, vector<512x64xf32> -> vector<512x64xf32>
    %slice3A_340 = vector.extract_strided_slice %add3A_265 {offsets = [0, 192], sizes = [512, 64], strides = [1, 1]} : vector<512x256xf32> to vector<512x64xf32>
    %slice3A_341 = vector.extract_strided_slice %add3A_269 {offsets = [0, 192], sizes = [512, 64], strides = [1, 1]} : vector<512x256xf32> to vector<512x64xf32>
    %dot_general3A_342 = arith.constant dense<0.000000e+00> : vector<512x512xf32>
    %dot_general3A_343 = tpu.matmul %slice3A_340, %slice3A_341, %dot_general3A_342 {dimension_numbers = #tpu.dot_dimension_numbers<[1], [1], [0], [0], [0, 0, 1, 0], [], []>, transpose_lhs_hint = false} : vector<512x64xf32>, vector<512x64xf32>, vector<512x512xf32> -> vector<512x512xf32>
    %mul3A_344 = arith.constant 1.250000e-01 : f32
    %mul3A_345 = vector.broadcast %mul3A_344 : f32 to vector<512x512xf32>
    %mul3A_346 = arith.mulf %dot_general3A_343, %mul3A_345 : vector<512x512xf32>
    %add3A_347 = arith.addf %mul3A_346, %select_n3A : vector<512x512xf32>
    %reduce_max3A_348 = arith.constant dense<0xFF800000> : vector<512xf32>
    %reduce_max3A_349 = vector.multi_reduction <maximumf>, %add3A_347, %reduce_max3A_348 [1] : vector<512x512xf32> to vector<512xf32>
    %broadcast_in_dim3A_350 = vector.shape_cast %reduce_max3A_349 : vector<512xf32> to vector<512x1xf32>
    %sub3A_351 = vector.broadcast %broadcast_in_dim3A_350 : vector<512x1xf32> to vector<512x512xf32>
    %sub3A_352 = arith.subf %add3A_347, %sub3A_351 : vector<512x512xf32>
    %exp3A_353 = math.exp %sub3A_352 : vector<512x512xf32>
    %reduce_sum3A_354 = arith.constant dense<0.000000e+00> : vector<512xf32>
    %reduce_sum3A_355 = vector.multi_reduction <add>, %exp3A_353, %reduce_sum3A_354 [1] : vector<512x512xf32> to vector<512xf32>
    %broadcast_in_dim3A_356 = vector.shape_cast %reduce_sum3A_355 : vector<512xf32> to vector<512x1xf32>
    %div3A_357 = vector.broadcast %broadcast_in_dim3A_356 : vector<512x1xf32> to vector<512x512xf32>
    %div3A_358 = arith.divf %exp3A_353, %div3A_357 : vector<512x512xf32>
    %slice3A_359 = vector.extract_strided_slice %add3A_273 {offsets = [0, 192], sizes = [512, 64], strides = [1, 1]} : vector<512x256xf32> to vector<512x64xf32>
    %dot_general3A_360 = arith.constant dense<0.000000e+00> : vector<512x64xf32>
    %dot_general3A_361 = tpu.matmul %div3A_358, %slice3A_359, %dot_general3A_360 {dimension_numbers = #tpu.dot_dimension_numbers<[1], [0], [0], [1], [0, 0, 1, 1], [], []>, transpose_lhs_hint = false} : vector<512x512xf32>, vector<512x64xf32>, vector<512x64xf32> -> vector<512x64xf32>
    %concatenate3A_362 = tpu.concatenate %dot_general3A_295, %dot_general3A_317, %dot_general3A_339, %dot_general3A_361 in 1 : vector<512x64xf32>, vector<512x64xf32>, vector<512x64xf32>, vector<512x64xf32> -> vector<512x256xf32>
    %dot_general3A_363 = arith.constant dense<0.000000e+00> : vector<512x256xf32>
    %dot_general3A_364 = tpu.matmul %concatenate3A_362, %get3A_252, %dot_general3A_363 {dimension_numbers = #tpu.dot_dimension_numbers<[1], [0], [0], [1], [0, 0, 1, 1], [], []>, transpose_lhs_hint = false} : vector<512x256xf32>, vector<256x256xf32>, vector<512x256xf32> -> vector<512x256xf32>
    %add3A_365 = vector.broadcast %get3A_255 : vector<1x256xf32> to vector<512x256xf32>
    %add3A_366 = arith.addf %dot_general3A_364, %add3A_365 : vector<512x256xf32>
    %add3A_367 = arith.addf %add3A_366, %add3A_231 : vector<512x256xf32>
    %reduce_sum3A_368 = arith.constant dense<0.000000e+00> : vector<512xf32>
    %reduce_sum3A_369 = vector.multi_reduction <add>, %add3A_367, %reduce_sum3A_368 [1] : vector<512x256xf32> to vector<512xf32>
    %broadcast_in_dim3A_370 = vector.shape_cast %reduce_sum3A_369 : vector<512xf32> to vector<512x1xf32>
    %div3A_371 = arith.constant 2.560000e+02 : f32
    %div3A_372 = vector.broadcast %div3A_371 : f32 to vector<512x1xf32>
    %div3A_373 = arith.divf %broadcast_in_dim3A_370, %div3A_372 : vector<512x1xf32>
    %sub3A_374 = vector.broadcast %div3A_373 : vector<512x1xf32> to vector<512x256xf32>
    %sub3A_375 = arith.subf %add3A_367, %sub3A_374 : vector<512x256xf32>
    %integer_pow3A_376 = arith.mulf %sub3A_375, %sub3A_375 : vector<512x256xf32>
    %reduce_sum3A_377 = arith.constant dense<0.000000e+00> : vector<512xf32>
    %reduce_sum3A_378 = vector.multi_reduction <add>, %integer_pow3A_376, %reduce_sum3A_377 [1] : vector<512x256xf32> to vector<512xf32>
    %broadcast_in_dim3A_379 = vector.shape_cast %reduce_sum3A_378 : vector<512xf32> to vector<512x1xf32>
    %div3A_380 = arith.constant 2.560000e+02 : f32
    %div3A_381 = vector.broadcast %div3A_380 : f32 to vector<512x1xf32>
    %div3A_382 = arith.divf %broadcast_in_dim3A_379, %div3A_381 : vector<512x1xf32>
    %sub3A_383 = vector.broadcast %div3A_373 : vector<512x1xf32> to vector<512x256xf32>
    %sub3A_384 = arith.subf %add3A_367, %sub3A_383 : vector<512x256xf32>
    %add3A_385 = arith.constant 9.99999974E-6 : f32
    %add3A_386 = vector.broadcast %add3A_385 : f32 to vector<512x1xf32>
    %add3A_387 = arith.addf %div3A_382, %add3A_386 : vector<512x1xf32>
    %rsqrt3A_388 = math.rsqrt %add3A_387 : vector<512x1xf32>
    %mul3A_389 = vector.broadcast %rsqrt3A_388 : vector<512x1xf32> to vector<512x256xf32>
    %mul3A_390 = arith.mulf %sub3A_384, %mul3A_389 : vector<512x256xf32>
    %mul3A_391 = vector.broadcast %get3A_258 : vector<1x256xf32> to vector<512x256xf32>
    %mul3A_392 = arith.mulf %mul3A_390, %mul3A_391 : vector<512x256xf32>
    %add3A_393 = vector.broadcast %get3A_261 : vector<1x256xf32> to vector<512x256xf32>
    %add3A_394 = arith.addf %mul3A_392, %add3A_393 : vector<512x256xf32>
    %reduce_sum3A_395 = arith.constant dense<0.000000e+00> : vector<512xf32>
    %reduce_sum3A_396 = vector.multi_reduction <add>, %add3A_394, %reduce_sum3A_395 [1] : vector<512x256xf32> to vector<512xf32>
    %broadcast_in_dim3A_397 = vector.shape_cast %reduce_sum3A_396 : vector<512xf32> to vector<512x1xf32>
    %div3A_398 = arith.constant 2.560000e+02 : f32
    %div3A_399 = vector.broadcast %div3A_398 : f32 to vector<512x1xf32>
    %div3A_400 = arith.divf %broadcast_in_dim3A_397, %div3A_399 : vector<512x1xf32>
    %sub3A_401 = vector.broadcast %div3A_400 : vector<512x1xf32> to vector<512x256xf32>
    %sub3A_402 = arith.subf %add3A_394, %sub3A_401 : vector<512x256xf32>
    %integer_pow3A_403 = arith.mulf %sub3A_402, %sub3A_402 : vector<512x256xf32>
    %reduce_sum3A_404 = arith.constant dense<0.000000e+00> : vector<512xf32>
    %reduce_sum3A_405 = vector.multi_reduction <add>, %integer_pow3A_403, %reduce_sum3A_404 [1] : vector<512x256xf32> to vector<512xf32>
    %broadcast_in_dim3A_406 = vector.shape_cast %reduce_sum3A_405 : vector<512xf32> to vector<512x1xf32>
    %div3A_407 = arith.constant 2.550000e+02 : f32
    %div3A_408 = vector.broadcast %div3A_407 : f32 to vector<512x1xf32>
    %div3A_409 = arith.divf %broadcast_in_dim3A_406, %div3A_408 : vector<512x1xf32>
    %get3A_410 = arith.constant 0 : index
    %get3A_411 = arith.constant 0 : index
    %get3A_412 = vector.load %arg29[%get3A_410, %get3A_411] : memref<512x128xf32, #tpu.memory_space<vmem>>, vector<512x128xf32>
    %dot_general3A_413 = arith.constant dense<0.000000e+00> : vector<128x1xf32>
    %dot_general3A_414 = tpu.matmul %get3A_412, %div3A_409, %dot_general3A_413 {dimension_numbers = #tpu.dot_dimension_numbers<[0], [0], [1], [1], [0, 1, 1, 1], [], []>, transpose_lhs_hint = false} : vector<512x128xf32>, vector<512x1xf32>, vector<128x1xf32> -> vector<128x1xf32>
    %get3A_415 = arith.constant 0 : index
    %get3A_416 = arith.constant 0 : index
    %get3A_417 = vector.load %arg30[%get3A_415, %get3A_416] : memref<128x1xf32, #tpu.memory_space<vmem>>, vector<128x1xf32>
    %add3A_418 = arith.addf %dot_general3A_414, %get3A_417 : vector<128x1xf32>
    %max3A_419 = arith.constant 0.000000e+00 : f32
    %max3A_420 = vector.broadcast %max3A_419 : f32 to vector<128x1xf32>
    %max3A_421 = arith.maximumf %add3A_418, %max3A_420 : vector<128x1xf32>
    %get3A_422 = arith.constant 0 : index
    %get3A_423 = arith.constant 0 : index
    %get3A_424 = vector.load %arg31[%get3A_422, %get3A_423] : memref<128x512xf32, #tpu.memory_space<vmem>>, vector<128x512xf32>
    %dot_general3A_425 = arith.constant dense<0.000000e+00> : vector<512x1xf32>
    %dot_general3A_426 = tpu.matmul %get3A_424, %max3A_421, %dot_general3A_425 {dimension_numbers = #tpu.dot_dimension_numbers<[0], [0], [1], [1], [0, 1, 1, 1], [], []>, transpose_lhs_hint = false} : vector<128x512xf32>, vector<128x1xf32>, vector<512x1xf32> -> vector<512x1xf32>
    %get3A_427 = arith.constant 0 : index
    %get3A_428 = arith.constant 0 : index
    %get3A_429 = vector.load %arg32[%get3A_427, %get3A_428] : memref<512x1xf32, #tpu.memory_space<vmem>>, vector<512x1xf32>
    %add3A_430 = arith.addf %dot_general3A_426, %get3A_429 : vector<512x1xf32>
    %neg3A = arith.constant 0.000000e+00 : f32
    %neg3A_431 = vector.broadcast %neg3A : f32 to vector<512x1xf32>
    %neg3A_432 = arith.subf %neg3A_431, %add3A_430 : vector<512x1xf32>
    %exp3A_433 = math.exp %neg3A_432 : vector<512x1xf32>
    %add3A_434 = arith.constant 1.000000e+00 : f32
    %add3A_435 = vector.broadcast %add3A_434 : f32 to vector<512x1xf32>
    %add3A_436 = arith.addf %add3A_435, %exp3A_433 : vector<512x1xf32>
    %div3A_437 = arith.constant 1.000000e+00 : f32
    %div3A_438 = vector.broadcast %div3A_437 : f32 to vector<512x1xf32>
    %div3A_439 = arith.divf %div3A_438, %add3A_436 : vector<512x1xf32>
    %mul3A_440 = vector.broadcast %div3A_439 : vector<512x1xf32> to vector<512x256xf32>
    %mul3A_441 = arith.mulf %add3A_394, %mul3A_440 : vector<512x256xf32>
    %swap3A = arith.constant 0 : index
    %swap3A_442 = arith.constant 0 : index
    %swap3A_443 = arith.constant 0 : index
    %swap3A_444 = vector.load %arg33[%swap3A, %swap3A_442, %swap3A_443] : memref<1x512x256xf32, #tpu.memory_space<vmem>>, vector<1x512x256xf32>
    %swap3A_445 = vector.shape_cast %swap3A_444 : vector<1x512x256xf32> to vector<512x256xf32>
    %swap3A_446 = vector.shape_cast %mul3A_441 : vector<512x256xf32> to vector<1x512x256xf32>
    tpu.vector_store %arg33[%swap3A, %swap3A_442, %swap3A_443], %swap3A_446 {strides = array<i32>} : memref<1x512x256xf32, #tpu.memory_space<vmem>>, vector<1x512x256xf32>,
    return
  }
  func.func @transform_0(%arg0: i32) -> (i32, i32, i32) {
    %c0_i32 = arith.constant 0 : i32
    %c0_i32_0 = arith.constant 0 : i32
    %c0_i32_1 = arith.constant 0 : i32
    return %arg0, %c0_i32, %c0_i32_0 : i32, i32, i32
  }
  func.func @transform_1(%arg0: i32) -> (i32, i32, i32, i32) {
    %c0_i32 = arith.constant 0 : i32
    %c0_i32_0 = arith.constant 0 : i32
    %c0_i32_1 = arith.constant 0 : i32
    %c0_i32_2 = arith.constant 0 : i32
    %c0_i32_3 = arith.constant 0 : i32
    return %c0_i32, %c0_i32_0, %c0_i32_1, %c0_i32_2 : i32, i32, i32, i32
  }
  func.func @transform_2(%arg0: i32) -> (i32, i32) {
    %c0_i32 = arith.constant 0 : i32
    %c0_i32_0 = arith.constant 0 : i32
    %c0_i32_1 = arith.constant 0 : i32
    return %c0_i32, %c0_i32_0 : i32, i32
  }
  func.func @transform_3(%arg0: i32) -> (i32, i32) {
    %c0_i32 = arith.constant 0 : i32
    %c0_i32_0 = arith.constant 0 : i32
    %c0_i32_1 = arith.constant 0 : i32
    return %c0_i32, %c0_i32_0 : i32, i32
  }
  func.func @transform_4(%arg0: i32) -> (i32, i32) {
    %c0_i32 = arith.constant 0 : i32
    %c0_i32_0 = arith.constant 0 : i32
    %c0_i32_1 = arith.constant 0 : i32
    return %c0_i32, %c0_i32_0 : i32, i32
  }
  func.func @transform_5(%arg0: i32) -> (i32, i32) {
    %c0_i32 = arith.constant 0 : i32
    %c0_i32_0 = arith.constant 0 : i32
    %c0_i32_1 = arith.constant 0 : i32
    return %c0_i32, %c0_i32_0 : i32, i32
  }
  func.func @transform_6(%arg0: i32) -> (i32, i32) {
    %c0_i32 = arith.constant 0 : i32
    %c0_i32_0 = arith.constant 0 : i32
    %c0_i32_1 = arith.constant 0 : i32
    return %c0_i32, %c0_i32_0 : i32, i32
  }
  func.func @transform_7(%arg0: i32) -> (i32, i32) {
    %c0_i32 = arith.constant 0 : i32
    %c0_i32_0 = arith.constant 0 : i32
    %c0_i32_1 = arith.constant 0 : i32
    return %c0_i32, %c0_i32_0 : i32, i32
  }
  func.func @transform_8(%arg0: i32) -> (i32, i32) {
    %c0_i32 = arith.constant 0 : i32
    %c0_i32_0 = arith.constant 0 : i32
    %c0_i32_1 = arith.constant 0 : i32
    return %c0_i32, %c0_i32_0 : i32, i32
  }
  func.func @transform_9(%arg0: i32) -> (i32, i32) {
    %c0_i32 = arith.constant 0 : i32
    %c0_i32_0 = arith.constant 0 : i32
    %c0_i32_1 = arith.constant 0 : i32
    return %c0_i32, %c0_i32_0 : i32, i32
  }
  func.func @transform_10(%arg0: i32) -> (i32, i32) {
    %c0_i32 = arith.constant 0 : i32
    %c0_i32_0 = arith.constant 0 : i32
    %c0_i32_1 = arith.constant 0 : i32
    return %c0_i32, %c0_i32_0 : i32, i32
  }
  func.func @transform_11(%arg0: i32) -> (i32, i32) {
    %c0_i32 = arith.constant 0 : i32
    %c0_i32_0 = arith.constant 0 : i32
    %c0_i32_1 = arith.constant 0 : i32
    return %c0_i32, %c0_i32_0 : i32, i32
  }
  func.func @transform_12(%arg0: i32) -> (i32, i32) {
    %c0_i32 = arith.constant 0 : i32
    %c0_i32_0 = arith.constant 0 : i32
    %c0_i32_1 = arith.constant 0 : i32
    return %c0_i32, %c0_i32_0 : i32, i32
  }
  func.func @transform_13(%arg0: i32) -> (i32, i32) {
    %c0_i32 = arith.constant 0 : i32
    %c0_i32_0 = arith.constant 0 : i32
    %c0_i32_1 = arith.constant 0 : i32
    return %c0_i32, %c0_i32_0 : i32, i32
  }
  func.func @transform_14(%arg0: i32) -> (i32, i32) {
    %c0_i32 = arith.constant 0 : i32
    %c0_i32_0 = arith.constant 0 : i32
    %c0_i32_1 = arith.constant 0 : i32
    return %c0_i32, %c0_i32_0 : i32, i32
  }
  func.func @transform_15(%arg0: i32) -> (i32, i32) {
    %c0_i32 = arith.constant 0 : i32
    %c0_i32_0 = arith.constant 0 : i32
    %c0_i32_1 = arith.constant 0 : i32
    return %c0_i32, %c0_i32_0 : i32, i32
  }
  func.func @transform_16(%arg0: i32) -> (i32, i32) {
    %c0_i32 = arith.constant 0 : i32
    %c0_i32_0 = arith.constant 0 : i32
    %c0_i32_1 = arith.constant 0 : i32
    return %c0_i32, %c0_i32_0 : i32, i32
  }
  func.func @transform_17(%arg0: i32) -> (i32, i32) {
    %c0_i32 = arith.constant 0 : i32
    %c0_i32_0 = arith.constant 0 : i32
    %c0_i32_1 = arith.constant 0 : i32
    return %c0_i32, %c0_i32_0 : i32, i32
  }
  func.func @transform_18(%arg0: i32) -> (i32, i32) {
    %c0_i32 = arith.constant 0 : i32
    %c0_i32_0 = arith.constant 0 : i32
    %c0_i32_1 = arith.constant 0 : i32
    return %c0_i32, %c0_i32_0 : i32, i32
  }
  func.func @transform_19(%arg0: i32) -> (i32, i32) {
    %c0_i32 = arith.constant 0 : i32
    %c0_i32_0 = arith.constant 0 : i32
    %c0_i32_1 = arith.constant 0 : i32
    return %c0_i32, %c0_i32_0 : i32, i32
  }
  func.func @transform_20(%arg0: i32) -> (i32, i32) {
    %c0_i32 = arith.constant 0 : i32
    %c0_i32_0 = arith.constant 0 : i32
    %c0_i32_1 = arith.constant 0 : i32
    return %c0_i32, %c0_i32_0 : i32, i32
  }
  func.func @transform_21(%arg0: i32) -> (i32, i32) {
    %c0_i32 = arith.constant 0 : i32
    %c0_i32_0 = arith.constant 0 : i32
    %c0_i32_1 = arith.constant 0 : i32
    return %c0_i32, %c0_i32_0 : i32, i32
  }
  func.func @transform_22(%arg0: i32) -> (i32, i32) {
    %c0_i32 = arith.constant 0 : i32
    %c0_i32_0 = arith.constant 0 : i32
    %c0_i32_1 = arith.constant 0 : i32
    return %c0_i32, %c0_i32_0 : i32, i32
  }
  func.func @transform_23(%arg0: i32) -> (i32, i32) {
    %c0_i32 = arith.constant 0 : i32
    %c0_i32_0 = arith.constant 0 : i32
    %c0_i32_1 = arith.constant 0 : i32
    return %c0_i32, %c0_i32_0 : i32, i32
  }
  func.func @transform_24(%arg0: i32) -> (i32, i32) {
    %c0_i32 = arith.constant 0 : i32
    %c0_i32_0 = arith.constant 0 : i32
    %c0_i32_1 = arith.constant 0 : i32
    return %c0_i32, %c0_i32_0 : i32, i32
  }
  func.func @transform_25(%arg0: i32) -> (i32, i32) {
    %c0_i32 = arith.constant 0 : i32
    %c0_i32_0 = arith.constant 0 : i32
    %c0_i32_1 = arith.constant 0 : i32
    return %c0_i32, %c0_i32_0 : i32, i32
  }
  func.func @transform_26(%arg0: i32) -> (i32, i32) {
    %c0_i32 = arith.constant 0 : i32
    %c0_i32_0 = arith.constant 0 : i32
    %c0_i32_1 = arith.constant 0 : i32
    return %c0_i32, %c0_i32_0 : i32, i32
  }
  func.func @transform_27(%arg0: i32) -> (i32, i32) {
    %c0_i32 = arith.constant 0 : i32
    %c0_i32_0 = arith.constant 0 : i32
    %c0_i32_1 = arith.constant 0 : i32
    return %c0_i32, %c0_i32_0 : i32, i32
  }
  func.func @transform_28(%arg0: i32) -> (i32, i32) {
    %c0_i32 = arith.constant 0 : i32
    %c0_i32_0 = arith.constant 0 : i32
    %c0_i32_1 = arith.constant 0 : i32
    return %c0_i32, %c0_i32_0 : i32, i32
  }
  func.func @transform_29(%arg0: i32) -> (i32, i32) {
    %c0_i32 = arith.constant 0 : i32
    %c0_i32_0 = arith.constant 0 : i32
    %c0_i32_1 = arith.constant 0 : i32
    return %c0_i32, %c0_i32_0 : i32, i32
  }
  func.func @transform_30(%arg0: i32) -> (i32, i32) {
    %c0_i32 = arith.constant 0 : i32
    %c0_i32_0 = arith.constant 0 : i32
    %c0_i32_1 = arith.constant 0 : i32
    return %c0_i32, %c0_i32_0 : i32, i32
  }
  func.func @transform_31(%arg0: i32) -> (i32, i32) {
    %c0_i32 = arith.constant 0 : i32
    %c0_i32_0 = arith.constant 0 : i32
    %c0_i32_1 = arith.constant 0 : i32
    return %c0_i32, %c0_i32_0 : i32, i32
  }
  func.func @transform_32(%arg0: i32) -> (i32, i32, i32) {
    %c0_i32 = arith.constant 0 : i32
    %c0_i32_0 = arith.constant 0 : i32
    %c0_i32_1 = arith.constant 0 : i32
    return %arg0, %c0_i32, %c0_i32_0 : i32, i32, i32
  }
}

</mosaic_0001>

<sc_bundles>
// kernel: kernel.4.cloned.1.call-start
scs
__scs_entry_jumppad:
0x0: {  	(pc) =	sbr.rel $0x88, $3  }
0x1: {  	(tag) =	ssettag $0x0;
	lr =	simm.s32 $0x1  }
0x2: {  	[smem:$0x3F81] =	sst lr;
	_ =	strace $0xD0000000  }
0x3: {  	_ = 	snop  }
0x4: {  	_ = 	snop  }
0x5: {  	_ = 	snop  }
0x6: {  	_ = 	snop  }
0x7: {  	_ = 	snop  }
__scs_overlays_trampoline_lowered:
0x8: {  	[smem:$0x3F90] =	sst s0  }
0x9: {  	[smem:$0x3F91] =	sst s1  }
0xa: {  	[smem:$0x3F92] =	sst s2  }
0xb: {  	[smem:$0x3F93] =	sst s3  }
0xc: {  	[smem:$0x3F94] =	sst s4  }
0xd: {  	[smem:$0x3F95] =	sst s5  }
0xe: {  	[smem:$0x3F96] =	sst s6  }
0xf: {  	[smem:$0x3F97] =	sst s7  }
0x10: {  	[smem:$0x3F98] =	sst s8  }
0x11: {  	[smem:$0x3F99] =	sst s9;
	s0 =	simm.s32 @!p0 $0x0  }
0x12: {  	s1 =	sld [smem:$0x3F7F];
	s0 =	simm.s32 @p0 $0x1  }
0x13: {  	[smem:$0x3F9A] =	sst s0;
	s0 =	simm.s32 @!p1 $0x0  }
0x14: {  	s2 =	sld [smem:$0x3F7E];
	s0 =	simm.s32 @p1 $0x1  }
0x15: {  	[smem:$0x3F9B] =	sst s0;
	s0 =	simm.s32 @!p2 $0x0  }
0x16: {  	s3 =	sld [smem:$0x3FDB];
	s0 =	simm.s32 @p2 $0x1  }
0x17: {  	s4 =	simm.s32 $0x1BF5;
	[smem:$0x3F9D] =	sst s0  }
0x18: {  	s0 =	sld [smem:$0x3F80];
	_ =	swait.ge [sflag:s4], $0x0  }
0x19: {  	s7 =	sld [smem:$0x3F81]  }
0x1a: {  	s8 =	sadd.s32 $0xFFFFE003, lr  }
0x1b: {  	s9 =	sadd.s32 $0xFFFFFEF7, lr;
	s5 =	simm.s32 $0xFFFFFFFF;
	p2 =	slt.u32 s8, $0xFFFFF086  }
0x1c: {  	p1 =	slt.u32 s9, $0xF7A;
	s5 =	simm.s32 @!p2 $0x0  }
0x1d: {  	s5 =	simm.s32 @p1 $0x1;
	p0 =	seq.s32 s7, s2  }
0x1e: {  	s7 =	smul.u32 @!p0 $0xF7A, s2;
	p2 =	seq.s32 @!p0 s5, $0x0  }
0x1f: {  	s9 =	smul.u32 $0xF7A, s1;
	s8 =	simm.s32 @!p0 $0x1BF5;
	p2 =	por !p2, p0  }
0x20: {  	[sflag:s8] =	ssyncset.s32 @!p0 $0xFFFFF086;
	s6 =	sadd.s32 @!p0 s3, s7;
	s7 =	simm.s32 @!p0 $0x108  }
0x21: {  	s3 =	sadd.s32 s3, s9;
	s6 =	sadd.s32 @!p0 $0x88, s6;
	s7 =	simm.s32 @p2 $0x1082  }
0x22: {  	[simem:s7], [sflag:s8] =	dma.local @!p0 [hbm:s6], $0xF7A  }
0x23: {  	s9 =	sor.u32 $0xD0000000, s2;
	s6 =	simm.s32 $0x108;
	_ =	swait.ge @!p0 [sflag:s8], $0x0  }
0x24: {  	s3 =	sadd.s32 $0x88, s3;
	s6 =	simm.s32 @!p1 $0x1082;
	[sflag:s4] =	ssyncset.s32 $0xFFFFF086  }
0x25: {  	[simem:s6], [sflag:s4] =	dma.local [hbm:s3], $0xF7A  }
0x26: {  	[smem:$0x3F81] =	sst s1;
	(tag) =	ssettag s2;
	_ =	strace s9  }
0x27: {  	s1 =	sld [smem:$0x3F91]  }
0x28: {  	s2 =	sld [smem:$0x3F92]  }
0x29: {  	s4 =	sld [smem:$0x3F94]  }
0x2a: {  	p0 =	seq.s32 s5, $0x0;
	s5 =	sld [smem:$0x3F95]  }
0x2b: {  	s6 =	sld [smem:$0x3F96]  }
0x2c: {  	s7 =	sld [smem:$0x3F97]  }
0x2d: {  	s3 =	simm.s32 $0x108;
	s8 =	sld [smem:$0x3F98]  }
0x2e: {  	s3 =	simm.s32 @!p0 $0x1082;
	s9 =	sld [smem:$0x3F99]  }
0x2f: {  	lr =	sadd.s32 s0, s3;
	s0 =	sld [smem:$0x3F90]  }
0x30: {  	s3 =	sld [smem:$0x3F93]  }
0x31: {  	[smem:$0x3F9C] =	sst s10  }
0x32: {  	s10 =	sld [smem:$0x3F9A];
	_ =	sdelay $0x3  }
0x33: {  	p0 =	seq.s32 s10, $0x1;
	s10 =	sld [smem:$0x3F9C];
	_ =	sdelay $0x3  }
0x34: {  	[smem:$0x3F9C] =	sst s10  }
0x35: {  	s10 =	sld [smem:$0x3F9B];
	_ =	sdelay $0x3  }
0x36: {  	p1 =	seq.s32 s10, $0x1;
	s10 =	sld [smem:$0x3F9C];
	_ =	sdelay $0x3  }
0x37: {  	[smem:$0x3F9C] =	sst s10  }
0x38: {  	s10 =	sld [smem:$0x3F9D]  }
0x39: {  	_ = 	snop;
	(pc) =	sbr.ind lr, $3  }
0x3a: {  	_ = 	snop  }
0x3b: {  	_ = 	snop  }
0x3c: {  	p2 =	seq.s32 s10, $0x1;
	s10 =	sld [smem:$0x3F9C]  }
0x3d: {  	_ =	shalt  }
0x3e: {  	_ =	shalt  }
0x3f: {  	_ =	shalt  }
0x40: {  	_ =	shalt  }
0x41: {  	_ =	shalt  }
0x42: {  	_ =	shalt  }
0x43: {  	_ =	shalt  }
0x44: {  	_ =	shalt  }
0x45: {  	_ =	shalt  }
0x46: {  	_ =	shalt  }
0x47: {  	_ =	shalt  }
0x48: {  	_ =	shalt  }
0x49: {  	_ =	shalt  }
0x4a: {  	_ =	shalt  }
0x4b: {  	_ =	shalt  }
0x4c: {  	_ =	shalt  }
0x4d: {  	_ =	shalt  }
0x4e: {  	_ =	shalt  }
0x4f: {  	_ =	shalt  }
0x50: {  	_ =	shalt  }
0x51: {  	_ =	shalt  }
0x52: {  	_ =	shalt  }
0x53: {  	_ =	shalt  }
0x54: {  	_ =	shalt  }
0x55: {  	_ =	shalt  }
0x56: {  	_ =	shalt  }
0x57: {  	_ =	shalt  }
0x58: {  	_ =	shalt  }
0x59: {  	_ =	shalt  }
0x5a: {  	_ =	shalt  }
0x5b: {  	_ =	shalt  }
0x5c: {  	_ =	shalt  }
0x5d: {  	_ =	shalt  }
0x5e: {  	_ =	shalt  }
0x5f: {  	_ =	shalt  }
0x60: {  	_ =	shalt  }
0x61: {  	_ =	shalt  }
0x62: {  	_ =	shalt  }
0x63: {  	_ =	shalt  }
0x64: {  	_ =	shalt  }
0x65: {  	_ =	shalt  }
0x66: {  	_ =	shalt  }
0x67: {  	_ =	shalt  }
0x68: {  	_ =	shalt  }
0x69: {  	_ =	shalt  }
0x6a: {  	_ =	shalt  }
0x6b: {  	_ =	shalt  }
0x6c: {  	_ =	shalt  }
0x6d: {  	_ =	shalt  }
0x6e: {  	_ =	shalt  }
0x6f: {  	_ =	shalt  }
0x70: {  	_ =	shalt  }
0x71: {  	_ =	shalt  }
0x72: {  	_ =	shalt  }
0x73: {  	_ =	shalt  }
0x74: {  	_ =	shalt  }
0x75: {  	_ =	shalt  }
0x76: {  	_ =	shalt  }
0x77: {  	_ =	shalt  }
0x78: {  	_ =	shalt  }
0x79: {  	_ =	shalt  }
0x7a: {  	_ =	shalt  }
0x7b: {  	_ =	shalt  }
0x7c: {  	_ =	shalt  }
0x7d: {  	_ =	shalt  }
0x7e: {  	_ =	shalt  }
0x7f: {  	_ =	shalt  }
0x80: {  	_ =	shalt  }
0x81: {  	_ =	shalt  }
0x82: {  	_ =	shalt  }
0x83: {  	_ =	shalt  }
0x84: {  	_ =	shalt  }
0x85: {  	_ =	shalt  }
0x86: {  	_ =	shalt  }
0x87: {  	_ =	shalt  }
.Lfunc_end0:
.L_simem_size_0:
called_computation_lowered:
.L_overlay_start_0:
0x88: {  	s2 =	sld [smem:$0x3FD9]  }
0x89: {  	s3 =	sld [smem:$0x3FFE];
	_ =	sdelay $0x1  }
0x8a: {  	s1 =	srdreg.scid  }
0x8b: {  	s0 =	sand.u32 $0x1, s1  }
0x8c: {  	s17 =	sshll.u32 s0, $0xA;
	s2 =	sadd.s32 s3, s2  }
0x8d: {  	s2 =	sadd.s32 s2, s17  }
0x8e: {  	[smem:$0x3FA8] =	sst s2  }
0x8f: {  	_ = 	snop  }
0x90: {  	s2 =	sld [smem:$0x3FC8]  }
0x91: {  	s18 =	sld [smem:$0x3FD0];
	(tm) =	ssettm $0x1  }
0x92: {  	s4 =	sld [smem:$0x3FFB];
	_ =	sdelay $0x3  }
0x93: {  	_ =	strace s4  }
0x94: {  	s4 =	sld [smem:$0x3FFC];
	_ =	sdelay $0x3  }
0x95: {  	_ =	strace s4  }
0x96: {  	s4 =	sld [smem:$0x3FFD];
	_ =	sdelay $0x3  }
0x97: {  	_ =	strace s4  }
0x98: {  	_ =	strace $0x8FFFFFFF  }
0x99: {  	s19 =	sld [smem:$0x3FDB];
	_ =	sdelay $0x1  }
0x9a: {  	s5 =	simm.s32 $_scs_section_size  }
0x9b: {  	s6 =	simm.s32 $_size__tile_overlayer_lowered;
	s7 =	simm.s32 $_tile_overlayer_lowered  }
0x9c: {  	s22 =	simm.s32 $0x1BFF;
	s21 =	sshll.u32 s7, $0x1;
	s4 =	sadd.s32 s5, s19  }
0x9d: {  	s8 =	simm.s32 $0x0;
	s20 =	sshll.u32 s6, $0x1;
	s6 =	sadd.s32 s21, s4  }
0x9e: {  	[timem:s8], [sflag:s22] =	dma.local [hbm:s6], s20  }
0x9f: {  	_ =	swait.ge [sflag:s22], s20  }
0xa0: {  	s5 =	ssub.s32 $0x0, s20;
	[sflag:s22] =	ssyncset.done $0x0  }
0xa1: {  	[sflag:s22] =	ssyncadd.s32 s5;
	_ =	sdelay $0x1  }
0xa2: {  	s23 =	simm.s32 $0x1B8B  }
0xa3: {  	_ =	swait.ge [sflag:s23], $0x1  }
0xa4: {  	[sflag:s23] =	ssyncset.done $0x0  }
0xa5: {  	s25 =	simm.s32 $0x1B8E;
	s24 =	sld [smem:$0x3FFE];
	[sflag:s23] =	ssyncadd.s32 $0xFFFFFFFF  }
0xa6: {  	s26 =	simm.s32 $execute0_lowered;
	[smem:$0x3FD2] =	sst s25  }
0xa7: {  	s6 =	sshll.u32 s26, $0x1;
	_ =	strace $0x80000046;
	[dreg:$0x1] =	wrdreg $0xFFFFFFFF  }
0xa8: {  	s28 =	simm.s32 $_size_execute0_lowered;
	s4 =	sadd.s32 s4, s6;
	[dreg:$0x0] =	wrdreg $0x0  }
0xa9: {  	s6 =	sshll.u32 s28, $0x1;
	[dreg:$0x2] =	wrdreg s4  }
0xaa: {  	[dreg:$0x3] =	wrdreg s6  }
0xab: {  	[dreg:$0x4] =	wrdreg $0xC0  }
0xac: {  	_ =	task [dreg:s8], $0x5FFFF  }
0xad: {  	[dreg:$0x1] =	wrdreg $0xFFFFFFFF  }
0xae: {  	[dreg:$0x0] =	wrdreg $0x60  }
0xaf: {  	[dreg:$0x2] =	wrdreg s2  }
0xb0: {  	[dreg:$0x3] =	wrdreg s24  }
0xb1: {  	[dreg:$0x4] =	wrdreg s18  }
0xb2: {  	[dreg:$0x5] =	wrdreg $0x4800  }
0xb3: {  	[dreg:$0x6] =	wrdreg $0x9  }
0xb4: {  	_ =	task.clear_ibuf [dreg:s8], $0x7FFFF;
	_ =	strace $0x90000046  }
0xb5: {  	s29 =	simm.s32 $0x9;
	_ =	strace $0x80000048  }
0xb6: {  	_ =	swait.ge [sflag:s29], $0x1  }
0xb7: {  	[sflag:s29] =	ssyncadd.s32 $0xFFFFFFFF  }
0xb8: {  	_ =	strace $0x90000048  }
0xb9: {  	_ =	sfence  }
0xba: {  	s30 =	sld [smem:$0x0];
	_ =	sdelay $0x2  }
0xbb: {  	s31 =	sshll.u32 s1, $0xD;
	s1 =	sshrl.u32 s1, $0x2  }
0xbc: {  	s3 =	sand.u32 $0x4000, s31;
	s1 =	sadd.s32 s1, s30  }
0xbd: {  	s0 =	sor.u32 s3, s0;
	s1 =	sshll.u32 s1, $0x11  }
0xbe: {  	s0 =	sor.u32 s1, s0  }
0xbf: {  	s0 =	sadd.s32 $0x8F2B, s0  }
0xc0: {  	[sflag:s0] =	ssyncadd.remote.s32 $0x1  }
0xc1: {  	_ =	sfence.sel $0xFFFF  }
0xc2: {  	[dreg:$0x0] =	wrdreg $0xFFFFFFFF;
	(pc) =	sbr.abs _section_cstart, $3  }
0xc3: {  	[dreg:$0x1] =	wrdreg $0xFFFFFFFF  }
0xc4: {  	_ =	task.clear_ibuf [dreg:s8], $0x2FFFF;
	_ =	strace $0x9FFFFFFF  }
0xc5: {  	(tm) =	ssettm $0x7FFFFFFF  }
tec
execute0_lowered:
.L_overlay_start_1:
0x0: {  	(tag) =	ssettag $0x1  }
0x1: {  	s6 =	rddreg [dreg:$0x0]  }
0x2: {  	s3 =	rddreg [dreg:$0x1]  }
0x3: {  	s12 =	rddreg [dreg:$0x2]  }
0x4: {  	s2 =	rddreg [dreg:$0x3]  }
0x5: {  	s0 =	rddreg [dreg:$0x4]  }
0x6: {  	s7 =	simm.s32 $0x0;
	s1 =	stileid.u32;
	s29 =	srdreg.scid  }
0x7: {  	[smem:$0x7FF] =	sst s7;
	s4 =	sshll.u32 s1, $0xC;
	s13 =	sand.u32 $0x1, s29  }
0x8: {  	s30 =	sshll.u32 s1, $0xF;
	s9 =	sshll.u32 s1, $0x6;
	s3 =	sadd.s32 s4, s3  }
0x9: {  	_ =	strace $0x80000047;
	s4 =	sadd.s32 s30, s2;
	s8 =	sadd.s32 $0x4800, s3  }
0xa: {  	s3 =	sor.u32 $0x1C01, s9;
	s5 =	sshrl.u32 s4, $0x3;
	s4 =	simm.s32 $0x1  }
0xb: {  	[spmem:s5], [sflag:s3] =	dma.local [hbm:s8], $0x1000  }
0xc: {  	s10 =	sshll.u32 s13, $0xA;
	_ =	swait.ge [sflag:s4], $0x1000  }
0xd: {  	s9 =	sor.u32 s9, s10;
	s10 =	simm.s32 $0x100;
	[sflag:s4] =	ssyncset.done $0x0  }
0xe: {  	s9 =	sadd.s32 s6, s9;
	s6 =	simm.s32 $0x80;
	[sflag:s4] =	ssyncadd.s32 $0xFFFFF000  }
0xf: {  	[tilespmem:s7], [sflag:$0x1] =	stream.strided.gather [hbm4b:s9+s6], $0x100, s10, s6, $0x38;
	[tilespmem:$0x8480] =	vst v63  }
0x10: {  	_ =	swait.ge [sflag:s4], $0x100  }
0x11: {  	[sflag:s4] =	ssyncset.done $0x0  }
0x12: {  	s11 =	sadd.s32 $0x10, s9;
	[sflag:s4] =	ssyncadd.s32 $0xFFFFFF00  }
0x13: {  	[tilespmem:s10], [sflag:$0x1] =	stream.strided.gather [hbm4b:s11+s6], $0x100, s10, s6, $0x38;
	[tilespmem:$0x8480] =	vst v63  }
0x14: {  	_ =	swait.ge [sflag:s4], $0x100  }
0x15: {  	[sflag:s4] =	ssyncset.done $0x0  }
0x16: {  	[sflag:s4] =	ssyncadd.s32 $0xFFFFFF00  }
0x17: {  	v2 =	vld [tilespmem:$0x170]  }
0x18: {  	v4 =	vld [tilespmem:$0x160]  }
0x19: {  	v5 =	vld [tilespmem:$0x150]  }
0x1a: {  	v7 =	vld [tilespmem:$0x70]  }
0x1b: {  	v8 =	vld [tilespmem:$0x60]  }
0x1c: {  	v1 =	vld [tilespmem:$0x50]  }
0x1d: {  	v10 =	vld [tilespmem:$0x40]  }
0x1e: {  	v3 =	vld [tilespmem:$0x130]  }
0x1f: {  	v11 =	vld [tilespmem:$0x30]  }
0x20: {  	v13 =	vld [tilespmem:$0x110]  }
0x21: {  	v0 =	vimm.f32 $1.000000000e+00;
	v14 =	vld [tilespmem:$0x120]  }
0x22: {  	[tilespmem:$0x400] =	vst v0;
	v15 =	vld [tilespmem:$0x1E0]  }
0x23: {  	[tilespmem:$0x410] =	vst v0;
	v16 =	vld [tilespmem:$0x100]  }
0x24: {  	[tilespmem:$0x420] =	vst v0;
	v12 =	vld [tilespmem:$0x10];
	v6 =	vshll.u32 v5, $0x9  }
0x25: {  	v17 =	vld [tilespmem:$0x20];
	[tilespmem:$0x430] =	vst v0;
	v9 =	vshll.u32 v4, $0x9;
	v18 =	vshll.u32 v3, $0x9;
	v19 =	vshll.u32 v2, $0x9  }
0x26: {  	[tilespmem:$0x440] =	vst v0;
	v21 =	vld [tilespmem:$0x0];
	v20 =	vshll.u32 v13, $0x9;
	v22 =	vshll.u32 v14, $0x9;
	v23 =	vshll.u32 v11, $0x9  }
0x27: {  	[tilespmem:$0x450] =	vst v0;
	v31 =	vld [tilespmem:$0xE0];
	v24 =	vshll.u32 v10, $0x9;
	v25 =	vshll.u32 v15, $0x9;
	v27 =	vshll.u32 v1, $0x9  }
0x28: {  	[tilespmem:$0x460] =	vst v0;
	v28 =	vshll.u32 v16, $0x9;
	v30 =	vshll.u32 v8, $0x9;
	v3 =	vadd.s32 v3, v23;
	v23 =	vld [tilespmem:$0x140]  }
0x29: {  	[tilespmem:$0x470] =	vst v0;
	v62 =	vshll.u32 v12, $0x9;
	v63 =	vshll.u32 v7, $0x9;
	v6 =	vadd.s32 v1, v6;
	v1 =	vld [tilespmem:$0x90]  }
0x2a: {  	v32 =	vadd.s32 v12, v20;
	v12 =	vadd.s32 v2, v63;
	v2 =	vld [tilespmem:$0xA0];
	v8 =	vadd.s32 v8, v9;
	[tilespmem:$0x250] =	vst v6  }
0x2b: {  	s14 =	ssub.s32 $0x2, s13;
	v29 =	vshll.u32 v17, $0x9;
	v4 =	vadd.s32 v4, v30;
	v9 =	vld [tilespmem:$0xC0];
	v11 =	vadd.s32 v11, v18;
	[tilespmem:$0x260] =	vst v8  }
0x2c: {  	s15 =	sshrl.u32 s14, $0x1;
	v13 =	vadd.s32 v13, v62;
	v26 =	vadd.s32 $0x40000, v3;
	v3 =	vld [tilespmem:$0x80];
	v6 =	vadd.s32 $0x40000, v4;
	[tilespmem:$0x230] =	vst v11  }
0x2d: {  	s14 =	ssub.s32 s14, s15;
	v22 =	vadd.s32 v17, v22;
	v4 =	vadd.s32 v5, v27;
	[tilespmem:$0x360] =	vst v6;
	v6 =	vld [tilespmem:$0xB0];
	v20 =	vshll.u32 v23, $0x9  }
0x2e: {  	s20 =	smax.u32 s14, $0x1;
	v5 =	vadd.s32 $0x40000, v12;
	v8 =	vshll.u32 v21, $0x9;
	[tilespmem:$0x210] =	vst v32;
	v18 =	vadd.s32 v10, v20;
	v10 =	vld [tilespmem:$0x1C0]  }
0x2f: {  	p0 =	sne.s32 s20, $0x1;
	v11 =	vadd.s32 v7, v19;
	v7 =	vld [tilespmem:$0x1B0];
	v19 =	vshll.u32 v31, $0x9;
	[tilespmem:$0x330] =	vst v26;
	v8 =	vadd.s32 v16, v8  }
.Ltmp0:
0x30: {  	[tilespmem:$0x270] =	vst v11;
	v11 =	vld [tilespmem:$0x1A0];
	v15 =	vadd.s32 v15, v19;
	v19 =	vadd.s32 $0x40000, v13;
	v16 =	vadd.s32 $0x40000, v8;
	(pc) =	sbr.rel @!p0 .LBB2_2-.Ltmp0, $4  }
0x31: {  	s17 =	simm.s32 $0x200;
	s18 =	simm.s32 $0x300;
	s13 =	sshll.u32 s13, $0x4;
	[tilespmem:$0x370] =	vst v5;
	v13 =	vld [tilespmem:$0x190];
	v8 =	vadd.s32 v21, v28;
	v12 =	vadd.s32 v23, v24;
	v5 =	vshll.u32 v3, $0x9  }
0x32: {  	s16 =	simm.s32 $0x20;
	s31 =	sshll.u32 s1, $0xD;
	s12 =	sadd.s32 s12, s13;
	[tilespmem:$0x300] =	vst v16;
	v16 =	vld [tilespmem:$0x180];
	v12 =	vadd.s32 $0x40000, v12;
	v20 =	vadd.s32 $0x40000, v15;
	v15 =	vadd.s32 v14, v29  }
0x33: {  	s19 =	simm.s32 $0x10;
	s13 =	simm.s32 $0x400;
	s12 =	sadd.s32 s31, s12;
	[tilespmem:$0x240] =	vst v18;
	v14 =	vshll.u32 v6, $0x9;
	v17 =	vadd.s32 $0x40000, v15;
	v15 =	vld [tilespmem:$0xD0];
	v21 =	vshll.u32 v10, $0x9  }
0x34: {  	s15 =	simm.s32 $0x280;
	s14 =	simm.s32 $0x380;
	s20 =	sadd.s32 $0xFFFFFFFF, s20;
	v18 =	vshll.u32 v1, $0x9;
	[tilespmem:$0x320] =	vst v17;
	v17 =	vld [tilespmem:$0xF0];
	v23 =	vadd.s32 v9, v21;
	v21 =	vadd.s32 v31, v25  }
.LBB2_1:
0x35: {  	p0 =	sne.s32 s20, $0x1;
	s20 =	sadd.s32 $0xFFFFFFFF, s20;
	v24 =	vshll.u32 v2, $0x9;
	v25 =	vshll.u32 v7, $0x9;
	v9 =	vshll.u32 v9, $0x9;
	[tilespmem:$0x3E0] =	vst v20;
	v20 =	vld [tilespmem:$0x1F0]  }
0x36: {  	v26 =	vshll.u32 v13, $0x9;
	v24 =	vadd.s32 v11, v24;
	[tilespmem:$0x2C0] =	vst v23;
	v9 =	vadd.s32 v10, v9;
	v10 =	vld [tilespmem:$0x1D0]  }
0x37: {  	[tilespmem:$0x310] =	vst v19;
	v5 =	vadd.s32 v16, v5;
	v19 =	vadd.s32 $0x40000, v24;
	v9 =	vadd.s32 $0x40000, v9  }
0x38: {  	v7 =	vadd.s32 v7, v14;
	v13 =	vadd.s32 v13, v18;
	v16 =	vshll.u32 v16, $0x9;
	[tilespmem:$0x220] =	vst v22  }
0x39: {  	v6 =	vadd.s32 v6, v25;
	v7 =	vadd.s32 $0x40000, v7;
	[tilespmem:$0x340] =	vst v12;
	v12 =	vadd.s32 $0x40000, v13  }
0x3a: {  	v1 =	vadd.s32 v1, v26;
	v3 =	vadd.s32 v3, v16;
	v5 =	vadd.s32 $0x40000, v5;
	[tilespmem:$0x2E0] =	vst v21  }
0x3b: {  	v4 =	vadd.s32 $0x40000, v4;
	[tilespmem:$0x280] =	vst v3;
	v3 =	vshll.u32 v11, $0x9;
	v11 =	vshll.u32 v10, $0x9  }
0x3c: {  	v14 =	vshll.u32 v17, $0x9;
	v13 =	vshll.u32 v20, $0x9;
	[tilespmem:$0x2B0] =	vst v6;
	v6 =	vshll.u32 v15, $0x9  }
0x3d: {  	[tilespmem:$0x350] =	vst v4;
	v4 =	vadd.s32 v15, v11;
	v6 =	vadd.s32 v10, v6;
	v10 =	vadd.s32 v20, v14  }
0x3e: {  	v2 =	vadd.s32 v2, v3;
	[tilespmem:$0x2D0] =	vst v4;
	v3 =	vadd.s32 $0x40000, v6;
	v4 =	vadd.s32 $0x40000, v10  }
0x3f: {  	[tilespmem:$0x2A0] =	vst v2;
	v2 =	vadd.s32 v17, v13  }
0x40: {  	[tilespmem:$0x2F0] =	vst v2  }
0x41: {  	[tilespmem:$0x3F0] =	vst v4  }
0x42: {  	[tilespmem:$0x3A0] =	vst v19  }
0x43: {  	[tilespmem:$0x200] =	vst v8  }
0x44: {  	[tilespmem:$0x290] =	vst v1  }
0x45: {  	[tilespmem:$0x3C0] =	vst v9  }
0x46: {  	[tilespmem:$0x3D0] =	vst v3  }
0x47: {  	[tilespmem:$0x380] =	vst v5  }
0x48: {  	[tilespmem:$0x390] =	vst v12  }
0x49: {  	[tilespmem:$0x3B0] =	vst v7  }
0x4a: {  	[bflag:$0x0] =	sbarrier.arrive $0xFFFF  }
0x4b: {  	[spmem:s2] =	stream.indirect.scatter.add.f32 [tilespmem:s13], [sflag:$0x1], $0x1, s17, s6, $0xb8;
	[tilespmem:$0x8480] =	vst v63  }
0x4c: {  	_ =	swait.ge [sflag:s4], $0x80  }
0x4d: {  	[sflag:s4] =	ssyncset.done $0x0  }
0x4e: {  	[sflag:s4] =	ssyncadd.s32 $0xFFFFFF80  }
0x4f: {  	[spmem:s2] =	stream.indirect.scatter.add.f32 [tilespmem:s13], [sflag:$0x1], $0x1, s15, s6, $0xb8;
	[tilespmem:$0x8480] =	vst v63  }
0x50: {  	_ =	swait.ge [sflag:s4], $0x80  }
0x51: {  	[sflag:s4] =	ssyncset.done $0x0  }
0x52: {  	[sflag:s4] =	ssyncadd.s32 $0xFFFFFF80  }
0x53: {  	[spmem:s2] =	stream.indirect.scatter.add.f32 [tilespmem:s13], [sflag:$0x1], $0x1, s18, s6, $0xb8;
	[tilespmem:$0x8480] =	vst v63  }
0x54: {  	_ =	swait.ge [sflag:s4], $0x80  }
0x55: {  	[sflag:s4] =	ssyncset.done $0x0  }
0x56: {  	[sflag:s4] =	ssyncadd.s32 $0xFFFFFF80  }
0x57: {  	[spmem:s2] =	stream.indirect.scatter.add.f32 [tilespmem:s13], [sflag:$0x1], $0x1, s14, s6, $0xb8;
	[tilespmem:$0x8480] =	vst v63  }
0x58: {  	_ =	swait.ge [sflag:s4], $0x80  }
0x59: {  	[sflag:s4] =	ssyncset.done $0x0  }
0x5a: {  	[sflag:s4] =	ssyncadd.s32 $0xFFFFFF80  }
0x5b: {  	[bflag:$0x0] =	sbarrier.arrive $0xFFFF  }
0x5c: {  	[hbm:s12@s16], [sflag:s3] =	dma.strided [spmem:s5@s19], $0x1000, s4, $0x10   }
0x5d: {  	_ =	swait.ge [sflag:s4], $0x1000  }
0x5e: {  	[sflag:s4] =	ssyncset.done $0x0  }
0x5f: {  	[sflag:s4] =	ssyncadd.s32 $0xFFFFF000  }
0x60: {  	[spmem:s5], [sflag:s3] =	dma.local [hbm:s8], $0x1000  }
0x61: {  	_ =	swait.ge [sflag:s4], $0x1000  }
0x62: {  	[sflag:s4] =	ssyncset.done $0x0  }
0x63: {  	[sflag:s4] =	ssyncadd.s32 $0xFFFFF000  }
0x64: {  	[tilespmem:s7], [sflag:$0x1] =	stream.strided.gather [hbm4b:s9+s6], $0x100, s10, s6, $0x38;
	[tilespmem:$0x8480] =	vst v63  }
0x65: {  	_ =	swait.ge [sflag:s4], $0x100  }
0x66: {  	[sflag:s4] =	ssyncset.done $0x0  }
0x67: {  	[sflag:s4] =	ssyncadd.s32 $0xFFFFFF00  }
0x68: {  	[tilespmem:s10], [sflag:$0x1] =	stream.strided.gather [hbm4b:s11+s6], $0x100, s10, s6, $0x38;
	[tilespmem:$0x8480] =	vst v63  }
0x69: {  	_ =	swait.ge [sflag:s4], $0x100  }
0x6a: {  	[sflag:s4] =	ssyncset.done $0x0  }
0x6b: {  	[sflag:s4] =	ssyncadd.s32 $0xFFFFFF00  }
0x6c: {  	[tilespmem:$0x400] =	vst v0;
	v2 =	vld [tilespmem:$0x170]  }
0x6d: {  	[tilespmem:$0x410] =	vst v0;
	v4 =	vld [tilespmem:$0x160]  }
0x6e: {  	[tilespmem:$0x420] =	vst v0;
	v5 =	vld [tilespmem:$0x150]  }
0x6f: {  	[tilespmem:$0x430] =	vst v0;
	v7 =	vld [tilespmem:$0x70]  }
0x70: {  	[tilespmem:$0x440] =	vst v0;
	v8 =	vld [tilespmem:$0x60]  }
0x71: {  	[tilespmem:$0x450] =	vst v0;
	v1 =	vld [tilespmem:$0x50]  }
0x72: {  	[tilespmem:$0x460] =	vst v0;
	v10 =	vld [tilespmem:$0x40]  }
0x73: {  	[tilespmem:$0x470] =	vst v0;
	v3 =	vld [tilespmem:$0x130]  }
0x74: {  	v11 =	vld [tilespmem:$0x30]  }
0x75: {  	v13 =	vld [tilespmem:$0x110]  }
0x76: {  	v14 =	vld [tilespmem:$0x120]  }
0x77: {  	v15 =	vld [tilespmem:$0x1E0]  }
0x78: {  	v6 =	vshll.u32 v5, $0x9;
	v16 =	vld [tilespmem:$0x100]  }
0x79: {  	v9 =	vshll.u32 v4, $0x9;
	v17 =	vld [tilespmem:$0x20]  }
0x7a: {  	v19 =	vshll.u32 v2, $0x9;
	v18 =	vshll.u32 v3, $0x9;
	v12 =	vld [tilespmem:$0x10]  }
0x7b: {  	v23 =	vshll.u32 v11, $0x9;
	v20 =	vshll.u32 v13, $0x9;
	v21 =	vld [tilespmem:$0x0];
	v22 =	vshll.u32 v14, $0x9  }
0x7c: {  	v24 =	vshll.u32 v10, $0x9;
	v3 =	vadd.s32 v3, v23;
	v23 =	vld [tilespmem:$0x140];
	v25 =	vshll.u32 v15, $0x9  }
0x7d: {  	v6 =	vadd.s32 v1, v6;
	v27 =	vshll.u32 v1, $0x9;
	v26 =	vadd.s32 $0x40000, v3;
	v3 =	vld [tilespmem:$0x80]  }
0x7e: {  	v28 =	vshll.u32 v16, $0x9;
	v29 =	vshll.u32 v17, $0x9;
	[tilespmem:$0x330] =	vst v26;
	v26 =	vshll.u32 v8, $0x9;
	v1 =	vld [tilespmem:$0x90]  }
0x7f: {  	v30 =	vshll.u32 v12, $0x9;
	v4 =	vadd.s32 v4, v26;
	v26 =	vshll.u32 v7, $0x9;
	v31 =	vld [tilespmem:$0xE0]  }
0x80: {  	v32 =	vadd.s32 v12, v20;
	[tilespmem:$0x250] =	vst v6;
	v6 =	vadd.s32 $0x40000, v4;
	v12 =	vadd.s32 v2, v26;
	v2 =	vld [tilespmem:$0xA0]  }
0x81: {  	v4 =	vadd.s32 v5, v27;
	v20 =	vshll.u32 v23, $0x9;
	[tilespmem:$0x360] =	vst v6;
	v5 =	vadd.s32 $0x40000, v12;
	v6 =	vld [tilespmem:$0xB0]  }
0x82: {  	v8 =	vadd.s32 v8, v9;
	v12 =	vadd.s32 v23, v24;
	[tilespmem:$0x370] =	vst v5;
	v5 =	vshll.u32 v3, $0x9;
	v9 =	vld [tilespmem:$0xC0]  }
0x83: {  	v11 =	vadd.s32 v11, v18;
	v18 =	vadd.s32 v10, v20;
	v12 =	vadd.s32 $0x40000, v12;
	[tilespmem:$0x260] =	vst v8;
	v10 =	vld [tilespmem:$0x1C0]  }
0x84: {  	v8 =	vshll.u32 v21, $0x9;
	[tilespmem:$0x230] =	vst v11;
	v11 =	vadd.s32 v7, v19;
	v7 =	vld [tilespmem:$0x1B0];
	v19 =	vshll.u32 v31, $0x9  }
.Ltmp1:
0x85: {  	v13 =	vadd.s32 v13, v30;
	v8 =	vadd.s32 v16, v8;
	[tilespmem:$0x270] =	vst v11;
	v11 =	vld [tilespmem:$0x1A0];
	v15 =	vadd.s32 v15, v19;
	(pc) =	sbr.rel @p0 .LBB2_1-.Ltmp1, $4  }
0x86: {  	v16 =	vadd.s32 $0x40000, v8;
	v19 =	vadd.s32 $0x40000, v13;
	[tilespmem:$0x240] =	vst v18;
	v13 =	vld [tilespmem:$0x190];
	v20 =	vadd.s32 $0x40000, v15  }
0x87: {  	v8 =	vadd.s32 v21, v28;
	v15 =	vadd.s32 v14, v29;
	v14 =	vshll.u32 v6, $0x9;
	[tilespmem:$0x300] =	vst v16;
	v16 =	vld [tilespmem:$0x180]  }
0x88: {  	v22 =	vadd.s32 v17, v22;
	v17 =	vadd.s32 $0x40000, v15;
	[tilespmem:$0x210] =	vst v32;
	v21 =	vshll.u32 v10, $0x9;
	v15 =	vld [tilespmem:$0xD0]  }
0x89: {  	v18 =	vshll.u32 v1, $0x9;
	[tilespmem:$0x320] =	vst v17;
	v23 =	vadd.s32 v9, v21;
	v21 =	vadd.s32 v31, v25;
	v17 =	vld [tilespmem:$0xF0]  }
.LBB2_2:
0x8a: {  	[tilespmem:$0x3E0] =	vst v20  }
0x8b: {  	[tilespmem:$0x2C0] =	vst v23  }
0x8c: {  	[tilespmem:$0x310] =	vst v19  }
0x8d: {  	[tilespmem:$0x220] =	vst v22  }
0x8e: {  	[tilespmem:$0x340] =	vst v12  }
0x8f: {  	[tilespmem:$0x2E0] =	vst v21  }
0x90: {  	v48 =	vshll.u32 v7, $0x9;
	v49 =	vadd.s32 $0x40000, v4;
	[tilespmem:$0x200] =	vst v8  }
0x91: {  	v51 =	vshll.u32 v11, $0x9;
	v6 =	vadd.s32 v6, v48;
	[tilespmem:$0x350] =	vst v49  }
0x92: {  	v58 =	vshll.u32 v13, $0x9;
	[tilespmem:$0x2B0] =	vst v6;
	v6 =	vadd.s32 v2, v51  }
0x93: {  	v0 =	vld [tilespmem:$0x1D0];
	v55 =	vshll.u32 v2, $0x9;
	v47 =	vshll.u32 v16, $0x9;
	v1 =	vadd.s32 v1, v58;
	[tilespmem:$0x2A0] =	vst v6  }
0x94: {  	v46 =	vld [tilespmem:$0x1F0];
	v2 =	vadd.s32 v11, v55;
	v3 =	vadd.s32 v3, v47;
	[tilespmem:$0x290] =	vst v1  }
0x95: {  	v57 =	vshll.u32 v9, $0x9;
	v61 =	vadd.s32 v16, v5;
	v2 =	vadd.s32 $0x40000, v2;
	[tilespmem:$0x280] =	vst v3  }
0x96: {  	v59 =	vadd.s32 v10, v57;
	v1 =	vadd.s32 $0x40000, v61;
	[tilespmem:$0x3A0] =	vst v2  }
0x97: {  	v62 =	vadd.s32 v13, v18;
	v2 =	vadd.s32 $0x40000, v59;
	[tilespmem:$0x380] =	vst v1  }
0x98: {  	v50 =	vshll.u32 v0, $0x9;
	[tilespmem:$0x3C0] =	vst v2;
	v2 =	vadd.s32 $0x40000, v62  }
0x99: {  	v54 =	vshll.u32 v17, $0x9;
	v53 =	vshll.u32 v46, $0x9;
	v52 =	vadd.s32 v15, v50;
	[tilespmem:$0x390] =	vst v2  }
0x9a: {  	v60 =	vshll.u32 v15, $0x9;
	v56 =	vadd.s32 v46, v54;
	v4 =	vadd.s32 v17, v53;
	[tilespmem:$0x2D0] =	vst v52  }
0x9b: {  	v0 =	vadd.s32 v0, v60;
	v3 =	vadd.s32 $0x40000, v56;
	[tilespmem:$0x2F0] =	vst v4  }
0x9c: {  	v63 =	vadd.s32 v7, v14;
	v0 =	vadd.s32 $0x40000, v0;
	[tilespmem:$0x3F0] =	vst v3  }
0x9d: {  	[tilespmem:$0x3D0] =	vst v0;
	v0 =	vadd.s32 $0x40000, v63  }
0x9e: {  	[tilespmem:$0x3B0] =	vst v0  }
0x9f: {  	[bflag:$0x0] =	sbarrier.arrive $0xFFFF  }
0xa0: {  	[spmem:s2] =	stream.indirect.scatter.add.f32 [tilespmem:s13], [sflag:$0x1], $0x1, s17, s6, $0xb8;
	[tilespmem:$0x8480] =	vst v63  }
0xa1: {  	_ =	swait.ge [sflag:s4], $0x80  }
0xa2: {  	[sflag:s4] =	ssyncset.done $0x0  }
0xa3: {  	[sflag:s4] =	ssyncadd.s32 $0xFFFFFF80  }
0xa4: {  	[spmem:s2] =	stream.indirect.scatter.add.f32 [tilespmem:s13], [sflag:$0x1], $0x1, s15, s6, $0xb8;
	[tilespmem:$0x8480] =	vst v63  }
0xa5: {  	_ =	swait.ge [sflag:s4], $0x80  }
0xa6: {  	[sflag:s4] =	ssyncset.done $0x0  }
0xa7: {  	[sflag:s4] =	ssyncadd.s32 $0xFFFFFF80  }
0xa8: {  	[spmem:s2] =	stream.indirect.scatter.add.f32 [tilespmem:s13], [sflag:$0x1], $0x1, s18, s6, $0xb8;
	[tilespmem:$0x8480] =	vst v63  }
0xa9: {  	_ =	swait.ge [sflag:s4], $0x80  }
0xaa: {  	[sflag:s4] =	ssyncset.done $0x0  }
0xab: {  	[sflag:s4] =	ssyncadd.s32 $0xFFFFFF80  }
0xac: {  	[spmem:s2] =	stream.indirect.scatter.add.f32 [tilespmem:s13], [sflag:$0x1], $0x1, s14, s6, $0xb8;
	[tilespmem:$0x8480] =	vst v63  }
0xad: {  	_ =	swait.ge [sflag:s4], $0x80  }
0xae: {  	[sflag:s4] =	ssyncset.done $0x0  }
0xaf: {  	[sflag:s4] =	ssyncadd.s32 $0xFFFFFF80  }
0xb0: {  	[bflag:$0x0] =	sbarrier.arrive $0xFFFF  }
0xb1: {  	[hbm:s12@s16], [sflag:s3] =	dma.strided [spmem:s5@s19], $0x1000, s4, $0x10   }
0xb2: {  	_ =	swait.ge [sflag:s4], $0x1000  }
0xb3: {  	[sflag:s4] =	ssyncset.done $0x0  }
0xb4: {  	[sflag:s4] =	ssyncadd.s32 $0xFFFFF000  }
0xb5: {  	_ =	sfence.sel $0x180000  }
0xb6: {  	[bflag:$0x0] =	sbarrier.arrive $0xFFFF  }
0xb7: {  	p0 =	sne.s32 s1, $0x0;
	_ =	strace $0x90000047  }
0xb8: {  	s0 =	sadd.s32 @!p0 $0x100000, s0;
	[bflag:$0x2] =	sbarrier.arrive $0xFFFF  }
0xb9: {  	[sflag:s0] =	ssyncadd.tile.s32 @!p0 $0x1;
	_ =	shalt  }
.Lfunc_end2:
_tile_overlayer_lowered:
.L_overlay_start_2:
0xba: {  	(tag) =	ssettag $0x2  }
0xbb: {  	s0 =	rddreg [dreg:$0x0];
	s2 =	stileid.u32  }
0xbc: {  	s1 =	rddreg [dreg:$0x1];
	p0 =	sne.s32 s2, $0x0  }
0xbd: {  	s3 =	rddreg [dreg:$0x2];
	[bflag:$0x3] =	sbarrier.arrive $0xFFFF;
	s2 =	simm.s32 @!p0 $0x1C01  }
0xbe: {  	[timem:s3], [sflag:s2] =	dma.local @!p0 [hbm:s0], s1  }
0xbf: {  	s0 =	simm.s32 @!p0 $0x1  }
0xc0: {  	_ =	swait.ge @!p0 [sflag:s0], s1  }
0xc1: {  	s1 =	ssub.s32 @!p0 $0x0, s1;
	[sflag:s0] =	ssyncset.done @!p0 $0x0  }
0xc2: {  	[sflag:s0] =	ssyncadd.s32 @!p0 s1  }
0xc3: {  	[bflag:$0x3] =	sbarrier.arrive $0xFFFF  }
0xc4: {  	_ =	shalt  }

</sc_bundles>
